<compile_context>
chip_gen: v7x
topology: tpu7x:2x2x1
jax: 0.10.2.dev20260603
libtpu: 0.0.44.dev20260713+nightly
codegen_flags: <defaults>
</compile_context>

<pallas_src>
import functools

import jax
import jax.numpy as jnp
from jax import lax
from jax.experimental import pallas as pl
from jax.experimental.pallas import tpu as pltpu
from jax.experimental.pallas import tpu_sc as plsc

NC = 2
NS = 16
NW = NC * NS
L = 128
NBUF = 7


def kernel(X, W):
    B, H = X.shape
    V, D = W.shape
    bpw = B // NW
    assert bpw * NW == B and bpw == L
    ngrp = H // NBUF
    tail = H - ngrp * NBUF

    Xt = X.T.astype(jnp.int32)

    mesh = plsc.VectorSubcoreMesh(core_axis_name="c", subcore_axis_name="s")

    @functools.partial(
        pl.kernel,
        out_type=jax.ShapeDtypeStruct((H, B, D), jnp.float32),
        mesh=mesh,
        scratch_types=[
            pltpu.VMEM((H, L), jnp.int32),
            [pltpu.VMEM((L, D), jnp.float32) for _ in range(NBUF)],
            [pltpu.SemaphoreType.DMA for _ in range(NBUF)],
            [pltpu.SemaphoreType.DMA for _ in range(NBUF)],
        ],
    )
    def emb(x_hbm, w_hbm, out_hbm, idx_v, bufs, gsems, osems):
        wid = lax.axis_index("s") * NC + lax.axis_index("c")
        b0 = wid * L
        pltpu.sync_copy(x_hbm.at[:, pl.ds(b0, L)], idx_v)

        def start_gather(b, h):
            pltpu.make_async_copy(
                w_hbm.at[idx_v.at[h]], bufs[b], gsems[b]
            ).start()

        def wait_gather(b, h):
            pltpu.make_async_copy(
                w_hbm.at[idx_v.at[h]], bufs[b], gsems[b]
            ).wait()

        def start_out(b, h):
            pltpu.make_async_copy(
                bufs[b], out_hbm.at[h, pl.ds(b0, L)], osems[b]
            ).start()

        def wait_out(b, h):
            pltpu.make_async_copy(
                bufs[b], out_hbm.at[h, pl.ds(b0, L)], osems[b]
            ).wait()

        LA = 6

        for k in range(LA):
            start_gather(k % NBUF, k)

        def step(b, c):
            wait_gather(b, c)
            start_out(b, c)
            b2 = (b + LA) % NBUF
            wait_out(b2, c - (NBUF - LA))
            start_gather(b2, c + LA)

        for c in range(NBUF):
            b = c % NBUF
            wait_gather(b, c)
            start_out(b, c)
            b2 = (c + LA) % NBUF
            if c + LA >= NBUF:
                wait_out(b2, c - (NBUF - LA))
            start_gather(b2, c + LA)

        def grp(g, carry):
            h0 = g * NBUF
            for b in range(NBUF):
                step(b, h0 + b)
            return carry

        nlast = H - NBUF - LA
        ngrid = nlast // NBUF
        lax.fori_loop(1, 1 + ngrid, grp, 0)

        for c in range(NBUF + ngrid * NBUF, H):
            b = c % NBUF
            wait_gather(b, c)
            start_out(b, c)
            b2 = (c + LA) % NBUF
            wait_out(b2, c - (NBUF - LA))
            if c + LA < H:
                start_gather(b2, c + LA)
        for c in range(H - (NBUF - LA), H):
            wait_out(c % NBUF, c)

    out = emb(Xt, W)
    return jnp.transpose(out, (1, 0, 2))

# --- scband reference (transcript-rebuilt; emitter-appended) ---
"""Pipeline reference for scband-embedding-14886356648087 (READ-ONLY COPY).

The authoritative reference and input builder live on the scoring server;
editing this copy changes nothing except your own understanding.
"""

import jax, jax.numpy as jnp
import numpy as np

VOCAB = 100000
EMB_DIM = 128
BATCH = 4096
HIST = 50

def setup_inputs(seed: int = 0) -> dict:
    key = jax.random.key(seed)
    k_idx, k_w = jax.random.split(key)
    X = jax.random.randint(k_idx, (BATCH, HIST), 0, VOCAB, dtype=jnp.int64 if jax.config.jax_enable_x64 else jnp.int32)
    W = jax.random.normal(k_w, (VOCAB, EMB_DIM), dtype=jnp.float32)
    return {"X": X, "W": W}

def reference(X, W):
    # nn.Embedding forward: table lookup
    return jnp.take(W, X, axis=0)

if __name__ == "__main__":
    import jax
    _d = setup_inputs()
    print(jax.jit(kernel)(*tuple(_d.values())))

</pallas_src>

<mosaic_0001>
#map = affine_map<(d0, d1) -> (0, 0)>
#map1 = affine_map<(d0, d1) -> (0, 0, 0)>
module attributes {stable_mosaic.version = 14 : i64} {
  func.func @emb(%arg0: i32, %arg1: i32, %arg2: memref<50x4096xi32, #tpu.memory_space<hbm>>, %arg3: memref<100000x128xf32, #tpu.memory_space<hbm>>, %arg4: memref<50x4096x128xf32, #tpu.memory_space<hbm>>, %arg5: memref<50x128xi32, #tpu.memory_space<vmem>>, %arg6: memref<128x128xf32, #tpu.memory_space<vmem>>, %arg7: memref<128x128xf32, #tpu.memory_space<vmem>>, %arg8: memref<128x128xf32, #tpu.memory_space<vmem>>, %arg9: memref<128x128xf32, #tpu.memory_space<vmem>>, %arg10: memref<128x128xf32, #tpu.memory_space<vmem>>, %arg11: memref<128x128xf32, #tpu.memory_space<vmem>>, %arg12: memref<128x128xf32, #tpu.memory_space<vmem>>, %arg13: memref<!tpu.dma_semaphore, #tpu.memory_space<semaphore_mem>>, %arg14: memref<!tpu.dma_semaphore, #tpu.memory_space<semaphore_mem>>, %arg15: memref<!tpu.dma_semaphore, #tpu.memory_space<semaphore_mem>>, %arg16: memref<!tpu.dma_semaphore, #tpu.memory_space<semaphore_mem>>, %arg17: memref<!tpu.dma_semaphore, #tpu.memory_space<semaphore_mem>>, %arg18: memref<!tpu.dma_semaphore, #tpu.memory_space<semaphore_mem>>, %arg19: memref<!tpu.dma_semaphore, #tpu.memory_space<semaphore_mem>>, %arg20: memref<!tpu.dma_semaphore, #tpu.memory_space<semaphore_mem>>, %arg21: memref<!tpu.dma_semaphore, #tpu.memory_space<semaphore_mem>>, %arg22: memref<!tpu.dma_semaphore, #tpu.memory_space<semaphore_mem>>, %arg23: memref<!tpu.dma_semaphore, #tpu.memory_space<semaphore_mem>>, %arg24: memref<!tpu.dma_semaphore, #tpu.memory_space<semaphore_mem>>, %arg25: memref<!tpu.dma_semaphore, #tpu.memory_space<semaphore_mem>>, %arg26: memref<!tpu.dma_semaphore, #tpu.memory_space<semaphore_mem>>) attributes {dimension_semantics = [#tpu.dimension_semantics<core_parallel>, #tpu.dimension_semantics<subcore_parallel>], iteration_bounds = array<i64: 2, 16>, scalar_prefetch = 0 : i64, scratch_operands = 22 : i64, tpu.core_type = #tpu.core_type<sc_vector_subcore>, window_params = [{transform_indices = #map}, {transform_indices = #map}, {transform_indices = #map1}]} {
    %mul3A = arith.constant 2 : i32
    %mul3A_0 = arith.muli %arg1, %mul3A : i32
    %add3A = arith.addi %mul3A_0, %arg0 : i32
    %mul3A_1 = arith.constant 128 : i32
    %mul3A_2 = arith.muli %add3A, %mul3A_1 : i32
    "tpu.region"() ({
      %run_scoped3A = tpu.sem_alloc : memref<!tpu.dma_semaphore, #tpu.memory_space<semaphore_mem>>
      %dma_start3A_426 = arith.constant 0 : i32
      %dma_start3A_427 = tpu.memref_slice %arg2[%dma_start3A_426, %mul3A_2] : memref<50x4096xi32, #tpu.memory_space<hbm>> -> memref<50x128xi32, #tpu.memory_space<hbm>>
      %dma_start3A_428 = arith.constant 0 : i32
      %dma_start3A_429 = tpu.memref_slice %arg2[%dma_start3A_428, %mul3A_2] : memref<50x4096xi32, #tpu.memory_space<hbm>> -> memref<50x128xi32, #tpu.memory_space<hbm>>
      tpu.enqueue_dma source(%dma_start3A_429 : memref<50x128xi32, #tpu.memory_space<hbm>>) target(%arg5 : memref<50x128xi32, #tpu.memory_space<vmem>>) target_semaphore(%run_scoped3A : memref<!tpu.dma_semaphore, #tpu.memory_space<semaphore_mem>>)
      %dma_wait3A_430 = arith.constant 0 : i32
      %dma_wait3A_431 = tpu.memref_slice %arg2[%dma_wait3A_430, %mul3A_2] : memref<50x4096xi32, #tpu.memory_space<hbm>> -> memref<50x128xi32, #tpu.memory_space<hbm>>
      %dma_wait3A_432 = arith.constant 0 : i32
      %dma_wait3A_433 = tpu.memref_slice %arg2[%dma_wait3A_432, %mul3A_2] : memref<50x4096xi32, #tpu.memory_space<hbm>> -> memref<50x128xi32, #tpu.memory_space<hbm>>
      tpu.wait_dma2 semaphore(%run_scoped3A : memref<!tpu.dma_semaphore, #tpu.memory_space<semaphore_mem>>) src(%dma_wait3A_433 : memref<50x128xi32, #tpu.memory_space<hbm>>) dst(%arg5 : memref<50x128xi32, #tpu.memory_space<vmem>>)
      tpu.yield
    }) : () -> ()
    %dma_start3A = arith.constant 0 : i32
    %dma_start3A_3 = arith.constant 0 : i32
    %dma_start3A_4 = tpu.memref_slice %arg5[%dma_start3A, %dma_start3A_3] : memref<50x128xi32, #tpu.memory_space<vmem>> -> memref<1x128xi32, #tpu.memory_space<vmem>>
    %dma_start3A_5 = tpu.memref_squeeze %dma_start3A_4 : memref<1x128xi32, #tpu.memory_space<vmem>> -> memref<128xi32, #tpu.memory_space<vmem>>
    %dma_start3A_6 = arith.constant 0 : i32
    %dma_start3A_7 = arith.constant 0 : i32
    %dma_start3A_8 = tpu.memref_slice %arg3[%dma_start3A_6, %dma_start3A_7] : memref<100000x128xf32, #tpu.memory_space<hbm>> -> memref<100000x128xf32, #tpu.memory_space<hbm>>
    tpu.enqueue_indirect_dma source(%dma_start3A_8 : memref<100000x128xf32, #tpu.memory_space<hbm>>) target(%arg6 : memref<128x128xf32, #tpu.memory_space<vmem>>) offsets(%dma_start3A_5 : memref<128xi32, #tpu.memory_space<vmem>>) semaphore(%arg13 : memref<!tpu.dma_semaphore, #tpu.memory_space<semaphore_mem>>)
    %dma_start3A_9 = arith.constant 1 : i32
    %dma_start3A_10 = arith.constant 0 : i32
    %dma_start3A_11 = tpu.memref_slice %arg5[%dma_start3A_9, %dma_start3A_10] : memref<50x128xi32, #tpu.memory_space<vmem>> -> memref<1x128xi32, #tpu.memory_space<vmem>>
    %dma_start3A_12 = tpu.memref_squeeze %dma_start3A_11 : memref<1x128xi32, #tpu.memory_space<vmem>> -> memref<128xi32, #tpu.memory_space<vmem>>
    %dma_start3A_13 = arith.constant 0 : i32
    %dma_start3A_14 = arith.constant 0 : i32
    %dma_start3A_15 = tpu.memref_slice %arg3[%dma_start3A_13, %dma_start3A_14] : memref<100000x128xf32, #tpu.memory_space<hbm>> -> memref<100000x128xf32, #tpu.memory_space<hbm>>
    tpu.enqueue_indirect_dma source(%dma_start3A_15 : memref<100000x128xf32, #tpu.memory_space<hbm>>) target(%arg7 : memref<128x128xf32, #tpu.memory_space<vmem>>) offsets(%dma_start3A_12 : memref<128xi32, #tpu.memory_space<vmem>>) semaphore(%arg14 : memref<!tpu.dma_semaphore, #tpu.memory_space<semaphore_mem>>)
    %dma_start3A_16 = arith.constant 2 : i32
    %dma_start3A_17 = arith.constant 0 : i32
    %dma_start3A_18 = tpu.memref_slice %arg5[%dma_start3A_16, %dma_start3A_17] : memref<50x128xi32, #tpu.memory_space<vmem>> -> memref<1x128xi32, #tpu.memory_space<vmem>>
    %dma_start3A_19 = tpu.memref_squeeze %dma_start3A_18 : memref<1x128xi32, #tpu.memory_space<vmem>> -> memref<128xi32, #tpu.memory_space<vmem>>
    %dma_start3A_20 = arith.constant 0 : i32
    %dma_start3A_21 = arith.constant 0 : i32
    %dma_start3A_22 = tpu.memref_slice %arg3[%dma_start3A_20, %dma_start3A_21] : memref<100000x128xf32, #tpu.memory_space<hbm>> -> memref<100000x128xf32, #tpu.memory_space<hbm>>
    tpu.enqueue_indirect_dma source(%dma_start3A_22 : memref<100000x128xf32, #tpu.memory_space<hbm>>) target(%arg8 : memref<128x128xf32, #tpu.memory_space<vmem>>) offsets(%dma_start3A_19 : memref<128xi32, #tpu.memory_space<vmem>>) semaphore(%arg15 : memref<!tpu.dma_semaphore, #tpu.memory_space<semaphore_mem>>)
    %dma_start3A_23 = arith.constant 3 : i32
    %dma_start3A_24 = arith.constant 0 : i32
    %dma_start3A_25 = tpu.memref_slice %arg5[%dma_start3A_23, %dma_start3A_24] : memref<50x128xi32, #tpu.memory_space<vmem>> -> memref<1x128xi32, #tpu.memory_space<vmem>>
    %dma_start3A_26 = tpu.memref_squeeze %dma_start3A_25 : memref<1x128xi32, #tpu.memory_space<vmem>> -> memref<128xi32, #tpu.memory_space<vmem>>
    %dma_start3A_27 = arith.constant 0 : i32
    %dma_start3A_28 = arith.constant 0 : i32
    %dma_start3A_29 = tpu.memref_slice %arg3[%dma_start3A_27, %dma_start3A_28] : memref<100000x128xf32, #tpu.memory_space<hbm>> -> memref<100000x128xf32, #tpu.memory_space<hbm>>
    tpu.enqueue_indirect_dma source(%dma_start3A_29 : memref<100000x128xf32, #tpu.memory_space<hbm>>) target(%arg9 : memref<128x128xf32, #tpu.memory_space<vmem>>) offsets(%dma_start3A_26 : memref<128xi32, #tpu.memory_space<vmem>>) semaphore(%arg16 : memref<!tpu.dma_semaphore, #tpu.memory_space<semaphore_mem>>)
    %dma_start3A_30 = arith.constant 4 : i32
    %dma_start3A_31 = arith.constant 0 : i32
    %dma_start3A_32 = tpu.memref_slice %arg5[%dma_start3A_30, %dma_start3A_31] : memref<50x128xi32, #tpu.memory_space<vmem>> -> memref<1x128xi32, #tpu.memory_space<vmem>>
    %dma_start3A_33 = tpu.memref_squeeze %dma_start3A_32 : memref<1x128xi32, #tpu.memory_space<vmem>> -> memref<128xi32, #tpu.memory_space<vmem>>
    %dma_start3A_34 = arith.constant 0 : i32
    %dma_start3A_35 = arith.constant 0 : i32
    %dma_start3A_36 = tpu.memref_slice %arg3[%dma_start3A_34, %dma_start3A_35] : memref<100000x128xf32, #tpu.memory_space<hbm>> -> memref<100000x128xf32, #tpu.memory_space<hbm>>
    tpu.enqueue_indirect_dma source(%dma_start3A_36 : memref<100000x128xf32, #tpu.memory_space<hbm>>) target(%arg10 : memref<128x128xf32, #tpu.memory_space<vmem>>) offsets(%dma_start3A_33 : memref<128xi32, #tpu.memory_space<vmem>>) semaphore(%arg17 : memref<!tpu.dma_semaphore, #tpu.memory_space<semaphore_mem>>)
    %dma_start3A_37 = arith.constant 5 : i32
    %dma_start3A_38 = arith.constant 0 : i32
    %dma_start3A_39 = tpu.memref_slice %arg5[%dma_start3A_37, %dma_start3A_38] : memref<50x128xi32, #tpu.memory_space<vmem>> -> memref<1x128xi32, #tpu.memory_space<vmem>>
    %dma_start3A_40 = tpu.memref_squeeze %dma_start3A_39 : memref<1x128xi32, #tpu.memory_space<vmem>> -> memref<128xi32, #tpu.memory_space<vmem>>
    %dma_start3A_41 = arith.constant 0 : i32
    %dma_start3A_42 = arith.constant 0 : i32
    %dma_start3A_43 = tpu.memref_slice %arg3[%dma_start3A_41, %dma_start3A_42] : memref<100000x128xf32, #tpu.memory_space<hbm>> -> memref<100000x128xf32, #tpu.memory_space<hbm>>
    tpu.enqueue_indirect_dma source(%dma_start3A_43 : memref<100000x128xf32, #tpu.memory_space<hbm>>) target(%arg11 : memref<128x128xf32, #tpu.memory_space<vmem>>) offsets(%dma_start3A_40 : memref<128xi32, #tpu.memory_space<vmem>>) semaphore(%arg18 : memref<!tpu.dma_semaphore, #tpu.memory_space<semaphore_mem>>)
    %dma_wait3A = arith.constant 0 : i32
    %dma_wait3A_44 = arith.constant 0 : i32
    %dma_wait3A_45 = tpu.memref_slice %arg5[%dma_wait3A, %dma_wait3A_44] : memref<50x128xi32, #tpu.memory_space<vmem>> -> memref<1x128xi32, #tpu.memory_space<vmem>>
    %dma_wait3A_46 = tpu.memref_squeeze %dma_wait3A_45 : memref<1x128xi32, #tpu.memory_space<vmem>> -> memref<128xi32, #tpu.memory_space<vmem>>
    %dma_wait3A_47 = arith.constant 0 : i32
    %dma_wait3A_48 = arith.constant 0 : i32
    %dma_wait3A_49 = tpu.memref_slice %arg3[%dma_wait3A_47, %dma_wait3A_48] : memref<100000x128xf32, #tpu.memory_space<hbm>> -> memref<100000x128xf32, #tpu.memory_space<hbm>>
    tpu.wait_indirect_dma semaphore(%arg13 : memref<!tpu.dma_semaphore, #tpu.memory_space<semaphore_mem>>) src(%dma_wait3A_49 : memref<100000x128xf32, #tpu.memory_space<hbm>>) dst(%arg6 : memref<128x128xf32, #tpu.memory_space<vmem>>)
    %dma_start3A_50 = arith.constant 0 : i32
    %dma_start3A_51 = arith.constant 0 : i32
    %dma_start3A_52 = tpu.memref_slice %arg4[%dma_start3A_50, %mul3A_2, %dma_start3A_51] : memref<50x4096x128xf32, #tpu.memory_space<hbm>> -> memref<1x128x128xf32, #tpu.memory_space<hbm>>
    %dma_start3A_53 = tpu.memref_squeeze %dma_start3A_52 : memref<1x128x128xf32, #tpu.memory_space<hbm>> -> memref<128x128xf32, #tpu.memory_space<hbm>>
    %dma_start3A_54 = arith.constant 0 : i32
    %dma_start3A_55 = tpu.memref_slice %arg4[%dma_start3A_50, %mul3A_2, %dma_start3A_54] : memref<50x4096x128xf32, #tpu.memory_space<hbm>> -> memref<1x128x128xf32, #tpu.memory_space<hbm>>
    %dma_start3A_56 = tpu.memref_squeeze %dma_start3A_55 : memref<1x128x128xf32, #tpu.memory_space<hbm>> -> memref<128x128xf32, #tpu.memory_space<hbm>>
    tpu.enqueue_dma source(%arg6 : memref<128x128xf32, #tpu.memory_space<vmem>>) target(%dma_start3A_56 : memref<128x128xf32, #tpu.memory_space<hbm>>) target_semaphore(%arg20 : memref<!tpu.dma_semaphore, #tpu.memory_space<semaphore_mem>>)
    %dma_start3A_57 = arith.constant 6 : i32
    %dma_start3A_58 = arith.constant 0 : i32
    %dma_start3A_59 = tpu.memref_slice %arg5[%dma_start3A_57, %dma_start3A_58] : memref<50x128xi32, #tpu.memory_space<vmem>> -> memref<1x128xi32, #tpu.memory_space<vmem>>
    %dma_start3A_60 = tpu.memref_squeeze %dma_start3A_59 : memref<1x128xi32, #tpu.memory_space<vmem>> -> memref<128xi32, #tpu.memory_space<vmem>>
    %dma_start3A_61 = arith.constant 0 : i32
    %dma_start3A_62 = arith.constant 0 : i32
    %dma_start3A_63 = tpu.memref_slice %arg3[%dma_start3A_61, %dma_start3A_62] : memref<100000x128xf32, #tpu.memory_space<hbm>> -> memref<100000x128xf32, #tpu.memory_space<hbm>>
    tpu.enqueue_indirect_dma source(%dma_start3A_63 : memref<100000x128xf32, #tpu.memory_space<hbm>>) target(%arg12 : memref<128x128xf32, #tpu.memory_space<vmem>>) offsets(%dma_start3A_60 : memref<128xi32, #tpu.memory_space<vmem>>) semaphore(%arg19 : memref<!tpu.dma_semaphore, #tpu.memory_space<semaphore_mem>>)
    %dma_wait3A_64 = arith.constant 1 : i32
    %dma_wait3A_65 = arith.constant 0 : i32
    %dma_wait3A_66 = tpu.memref_slice %arg5[%dma_wait3A_64, %dma_wait3A_65] : memref<50x128xi32, #tpu.memory_space<vmem>> -> memref<1x128xi32, #tpu.memory_space<vmem>>
    %dma_wait3A_67 = tpu.memref_squeeze %dma_wait3A_66 : memref<1x128xi32, #tpu.memory_space<vmem>> -> memref<128xi32, #tpu.memory_space<vmem>>
    %dma_wait3A_68 = arith.constant 0 : i32
    %dma_wait3A_69 = arith.constant 0 : i32
    %dma_wait3A_70 = tpu.memref_slice %arg3[%dma_wait3A_68, %dma_wait3A_69] : memref<100000x128xf32, #tpu.memory_space<hbm>> -> memref<100000x128xf32, #tpu.memory_space<hbm>>
    tpu.wait_indirect_dma semaphore(%arg14 : memref<!tpu.dma_semaphore, #tpu.memory_space<semaphore_mem>>) src(%dma_wait3A_70 : memref<100000x128xf32, #tpu.memory_space<hbm>>) dst(%arg7 : memref<128x128xf32, #tpu.memory_space<vmem>>)
    %dma_start3A_71 = arith.constant 1 : i32
    %dma_start3A_72 = arith.constant 0 : i32
    %dma_start3A_73 = tpu.memref_slice %arg4[%dma_start3A_71, %mul3A_2, %dma_start3A_72] : memref<50x4096x128xf32, #tpu.memory_space<hbm>> -> memref<1x128x128xf32, #tpu.memory_space<hbm>>
    %dma_start3A_74 = tpu.memref_squeeze %dma_start3A_73 : memref<1x128x128xf32, #tpu.memory_space<hbm>> -> memref<128x128xf32, #tpu.memory_space<hbm>>
    %dma_start3A_75 = arith.constant 0 : i32
    %dma_start3A_76 = tpu.memref_slice %arg4[%dma_start3A_71, %mul3A_2, %dma_start3A_75] : memref<50x4096x128xf32, #tpu.memory_space<hbm>> -> memref<1x128x128xf32, #tpu.memory_space<hbm>>
    %dma_start3A_77 = tpu.memref_squeeze %dma_start3A_76 : memref<1x128x128xf32, #tpu.memory_space<hbm>> -> memref<128x128xf32, #tpu.memory_space<hbm>>
    tpu.enqueue_dma source(%arg7 : memref<128x128xf32, #tpu.memory_space<vmem>>) target(%dma_start3A_77 : memref<128x128xf32, #tpu.memory_space<hbm>>) target_semaphore(%arg21 : memref<!tpu.dma_semaphore, #tpu.memory_space<semaphore_mem>>)
    %dma_wait3A_78 = arith.constant 0 : i32
    %dma_wait3A_79 = arith.constant 0 : i32
    %dma_wait3A_80 = tpu.memref_slice %arg4[%dma_wait3A_78, %mul3A_2, %dma_wait3A_79] : memref<50x4096x128xf32, #tpu.memory_space<hbm>> -> memref<1x128x128xf32, #tpu.memory_space<hbm>>
    %dma_wait3A_81 = tpu.memref_squeeze %dma_wait3A_80 : memref<1x128x128xf32, #tpu.memory_space<hbm>> -> memref<128x128xf32, #tpu.memory_space<hbm>>
    %dma_wait3A_82 = arith.constant 0 : i32
    %dma_wait3A_83 = tpu.memref_slice %arg4[%dma_wait3A_78, %mul3A_2, %dma_wait3A_82] : memref<50x4096x128xf32, #tpu.memory_space<hbm>> -> memref<1x128x128xf32, #tpu.memory_space<hbm>>
    %dma_wait3A_84 = tpu.memref_squeeze %dma_wait3A_83 : memref<1x128x128xf32, #tpu.memory_space<hbm>> -> memref<128x128xf32, #tpu.memory_space<hbm>>
    tpu.wait_dma2 semaphore(%arg20 : memref<!tpu.dma_semaphore, #tpu.memory_space<semaphore_mem>>) src(%arg6 : memref<128x128xf32, #tpu.memory_space<vmem>>) dst(%dma_wait3A_84 : memref<128x128xf32, #tpu.memory_space<hbm>>)
    %dma_start3A_85 = arith.constant 7 : i32
    %dma_start3A_86 = arith.constant 0 : i32
    %dma_start3A_87 = tpu.memref_slice %arg5[%dma_start3A_85, %dma_start3A_86] : memref<50x128xi32, #tpu.memory_space<vmem>> -> memref<1x128xi32, #tpu.memory_space<vmem>>
    %dma_start3A_88 = tpu.memref_squeeze %dma_start3A_87 : memref<1x128xi32, #tpu.memory_space<vmem>> -> memref<128xi32, #tpu.memory_space<vmem>>
    %dma_start3A_89 = arith.constant 0 : i32
    %dma_start3A_90 = arith.constant 0 : i32
    %dma_start3A_91 = tpu.memref_slice %arg3[%dma_start3A_89, %dma_start3A_90] : memref<100000x128xf32, #tpu.memory_space<hbm>> -> memref<100000x128xf32, #tpu.memory_space<hbm>>
    tpu.enqueue_indirect_dma source(%dma_start3A_91 : memref<100000x128xf32, #tpu.memory_space<hbm>>) target(%arg6 : memref<128x128xf32, #tpu.memory_space<vmem>>) offsets(%dma_start3A_88 : memref<128xi32, #tpu.memory_space<vmem>>) semaphore(%arg13 : memref<!tpu.dma_semaphore, #tpu.memory_space<semaphore_mem>>)
    %dma_wait3A_92 = arith.constant 2 : i32
    %dma_wait3A_93 = arith.constant 0 : i32
    %dma_wait3A_94 = tpu.memref_slice %arg5[%dma_wait3A_92, %dma_wait3A_93] : memref<50x128xi32, #tpu.memory_space<vmem>> -> memref<1x128xi32, #tpu.memory_space<vmem>>
    %dma_wait3A_95 = tpu.memref_squeeze %dma_wait3A_94 : memref<1x128xi32, #tpu.memory_space<vmem>> -> memref<128xi32, #tpu.memory_space<vmem>>
    %dma_wait3A_96 = arith.constant 0 : i32
    %dma_wait3A_97 = arith.constant 0 : i32
    %dma_wait3A_98 = tpu.memref_slice %arg3[%dma_wait3A_96, %dma_wait3A_97] : memref<100000x128xf32, #tpu.memory_space<hbm>> -> memref<100000x128xf32, #tpu.memory_space<hbm>>
    tpu.wait_indirect_dma semaphore(%arg15 : memref<!tpu.dma_semaphore, #tpu.memory_space<semaphore_mem>>) src(%dma_wait3A_98 : memref<100000x128xf32, #tpu.memory_space<hbm>>) dst(%arg8 : memref<128x128xf32, #tpu.memory_space<vmem>>)
    %dma_start3A_99 = arith.constant 2 : i32
    %dma_start3A_100 = arith.constant 0 : i32
    %dma_start3A_101 = tpu.memref_slice %arg4[%dma_start3A_99, %mul3A_2, %dma_start3A_100] : memref<50x4096x128xf32, #tpu.memory_space<hbm>> -> memref<1x128x128xf32, #tpu.memory_space<hbm>>
    %dma_start3A_102 = tpu.memref_squeeze %dma_start3A_101 : memref<1x128x128xf32, #tpu.memory_space<hbm>> -> memref<128x128xf32, #tpu.memory_space<hbm>>
    %dma_start3A_103 = arith.constant 0 : i32
    %dma_start3A_104 = tpu.memref_slice %arg4[%dma_start3A_99, %mul3A_2, %dma_start3A_103] : memref<50x4096x128xf32, #tpu.memory_space<hbm>> -> memref<1x128x128xf32, #tpu.memory_space<hbm>>
    %dma_start3A_105 = tpu.memref_squeeze %dma_start3A_104 : memref<1x128x128xf32, #tpu.memory_space<hbm>> -> memref<128x128xf32, #tpu.memory_space<hbm>>
    tpu.enqueue_dma source(%arg8 : memref<128x128xf32, #tpu.memory_space<vmem>>) target(%dma_start3A_105 : memref<128x128xf32, #tpu.memory_space<hbm>>) target_semaphore(%arg22 : memref<!tpu.dma_semaphore, #tpu.memory_space<semaphore_mem>>)
    %dma_wait3A_106 = arith.constant 1 : i32
    %dma_wait3A_107 = arith.constant 0 : i32
    %dma_wait3A_108 = tpu.memref_slice %arg4[%dma_wait3A_106, %mul3A_2, %dma_wait3A_107] : memref<50x4096x128xf32, #tpu.memory_space<hbm>> -> memref<1x128x128xf32, #tpu.memory_space<hbm>>
    %dma_wait3A_109 = tpu.memref_squeeze %dma_wait3A_108 : memref<1x128x128xf32, #tpu.memory_space<hbm>> -> memref<128x128xf32, #tpu.memory_space<hbm>>
    %dma_wait3A_110 = arith.constant 0 : i32
    %dma_wait3A_111 = tpu.memref_slice %arg4[%dma_wait3A_106, %mul3A_2, %dma_wait3A_110] : memref<50x4096x128xf32, #tpu.memory_space<hbm>> -> memref<1x128x128xf32, #tpu.memory_space<hbm>>
    %dma_wait3A_112 = tpu.memref_squeeze %dma_wait3A_111 : memref<1x128x128xf32, #tpu.memory_space<hbm>> -> memref<128x128xf32, #tpu.memory_space<hbm>>
    tpu.wait_dma2 semaphore(%arg21 : memref<!tpu.dma_semaphore, #tpu.memory_space<semaphore_mem>>) src(%arg7 : memref<128x128xf32, #tpu.memory_space<vmem>>) dst(%dma_wait3A_112 : memref<128x128xf32, #tpu.memory_space<hbm>>)
    %dma_start3A_113 = arith.constant 8 : i32
    %dma_start3A_114 = arith.constant 0 : i32
    %dma_start3A_115 = tpu.memref_slice %arg5[%dma_start3A_113, %dma_start3A_114] : memref<50x128xi32, #tpu.memory_space<vmem>> -> memref<1x128xi32, #tpu.memory_space<vmem>>
    %dma_start3A_116 = tpu.memref_squeeze %dma_start3A_115 : memref<1x128xi32, #tpu.memory_space<vmem>> -> memref<128xi32, #tpu.memory_space<vmem>>
    %dma_start3A_117 = arith.constant 0 : i32
    %dma_start3A_118 = arith.constant 0 : i32
    %dma_start3A_119 = tpu.memref_slice %arg3[%dma_start3A_117, %dma_start3A_118] : memref<100000x128xf32, #tpu.memory_space<hbm>> -> memref<100000x128xf32, #tpu.memory_space<hbm>>
    tpu.enqueue_indirect_dma source(%dma_start3A_119 : memref<100000x128xf32, #tpu.memory_space<hbm>>) target(%arg7 : memref<128x128xf32, #tpu.memory_space<vmem>>) offsets(%dma_start3A_116 : memref<128xi32, #tpu.memory_space<vmem>>) semaphore(%arg14 : memref<!tpu.dma_semaphore, #tpu.memory_space<semaphore_mem>>)
    %dma_wait3A_120 = arith.constant 3 : i32
    %dma_wait3A_121 = arith.constant 0 : i32
    %dma_wait3A_122 = tpu.memref_slice %arg5[%dma_wait3A_120, %dma_wait3A_121] : memref<50x128xi32, #tpu.memory_space<vmem>> -> memref<1x128xi32, #tpu.memory_space<vmem>>
    %dma_wait3A_123 = tpu.memref_squeeze %dma_wait3A_122 : memref<1x128xi32, #tpu.memory_space<vmem>> -> memref<128xi32, #tpu.memory_space<vmem>>
    %dma_wait3A_124 = arith.constant 0 : i32
    %dma_wait3A_125 = arith.constant 0 : i32
    %dma_wait3A_126 = tpu.memref_slice %arg3[%dma_wait3A_124, %dma_wait3A_125] : memref<100000x128xf32, #tpu.memory_space<hbm>> -> memref<100000x128xf32, #tpu.memory_space<hbm>>
    tpu.wait_indirect_dma semaphore(%arg16 : memref<!tpu.dma_semaphore, #tpu.memory_space<semaphore_mem>>) src(%dma_wait3A_126 : memref<100000x128xf32, #tpu.memory_space<hbm>>) dst(%arg9 : memref<128x128xf32, #tpu.memory_space<vmem>>)
    %dma_start3A_127 = arith.constant 3 : i32
    %dma_start3A_128 = arith.constant 0 : i32
    %dma_start3A_129 = tpu.memref_slice %arg4[%dma_start3A_127, %mul3A_2, %dma_start3A_128] : memref<50x4096x128xf32, #tpu.memory_space<hbm>> -> memref<1x128x128xf32, #tpu.memory_space<hbm>>
    %dma_start3A_130 = tpu.memref_squeeze %dma_start3A_129 : memref<1x128x128xf32, #tpu.memory_space<hbm>> -> memref<128x128xf32, #tpu.memory_space<hbm>>
    %dma_start3A_131 = arith.constant 0 : i32
    %dma_start3A_132 = tpu.memref_slice %arg4[%dma_start3A_127, %mul3A_2, %dma_start3A_131] : memref<50x4096x128xf32, #tpu.memory_space<hbm>> -> memref<1x128x128xf32, #tpu.memory_space<hbm>>
    %dma_start3A_133 = tpu.memref_squeeze %dma_start3A_132 : memref<1x128x128xf32, #tpu.memory_space<hbm>> -> memref<128x128xf32, #tpu.memory_space<hbm>>
    tpu.enqueue_dma source(%arg9 : memref<128x128xf32, #tpu.memory_space<vmem>>) target(%dma_start3A_133 : memref<128x128xf32, #tpu.memory_space<hbm>>) target_semaphore(%arg23 : memref<!tpu.dma_semaphore, #tpu.memory_space<semaphore_mem>>)
    %dma_wait3A_134 = arith.constant 2 : i32
    %dma_wait3A_135 = arith.constant 0 : i32
    %dma_wait3A_136 = tpu.memref_slice %arg4[%dma_wait3A_134, %mul3A_2, %dma_wait3A_135] : memref<50x4096x128xf32, #tpu.memory_space<hbm>> -> memref<1x128x128xf32, #tpu.memory_space<hbm>>
    %dma_wait3A_137 = tpu.memref_squeeze %dma_wait3A_136 : memref<1x128x128xf32, #tpu.memory_space<hbm>> -> memref<128x128xf32, #tpu.memory_space<hbm>>
    %dma_wait3A_138 = arith.constant 0 : i32
    %dma_wait3A_139 = tpu.memref_slice %arg4[%dma_wait3A_134, %mul3A_2, %dma_wait3A_138] : memref<50x4096x128xf32, #tpu.memory_space<hbm>> -> memref<1x128x128xf32, #tpu.memory_space<hbm>>
    %dma_wait3A_140 = tpu.memref_squeeze %dma_wait3A_139 : memref<1x128x128xf32, #tpu.memory_space<hbm>> -> memref<128x128xf32, #tpu.memory_space<hbm>>
    tpu.wait_dma2 semaphore(%arg22 : memref<!tpu.dma_semaphore, #tpu.memory_space<semaphore_mem>>) src(%arg8 : memref<128x128xf32, #tpu.memory_space<vmem>>) dst(%dma_wait3A_140 : memref<128x128xf32, #tpu.memory_space<hbm>>)
    %dma_start3A_141 = arith.constant 9 : i32
    %dma_start3A_142 = arith.constant 0 : i32
    %dma_start3A_143 = tpu.memref_slice %arg5[%dma_start3A_141, %dma_start3A_142] : memref<50x128xi32, #tpu.memory_space<vmem>> -> memref<1x128xi32, #tpu.memory_space<vmem>>
    %dma_start3A_144 = tpu.memref_squeeze %dma_start3A_143 : memref<1x128xi32, #tpu.memory_space<vmem>> -> memref<128xi32, #tpu.memory_space<vmem>>
    %dma_start3A_145 = arith.constant 0 : i32
    %dma_start3A_146 = arith.constant 0 : i32
    %dma_start3A_147 = tpu.memref_slice %arg3[%dma_start3A_145, %dma_start3A_146] : memref<100000x128xf32, #tpu.memory_space<hbm>> -> memref<100000x128xf32, #tpu.memory_space<hbm>>
    tpu.enqueue_indirect_dma source(%dma_start3A_147 : memref<100000x128xf32, #tpu.memory_space<hbm>>) target(%arg8 : memref<128x128xf32, #tpu.memory_space<vmem>>) offsets(%dma_start3A_144 : memref<128xi32, #tpu.memory_space<vmem>>) semaphore(%arg15 : memref<!tpu.dma_semaphore, #tpu.memory_space<semaphore_mem>>)
    %dma_wait3A_148 = arith.constant 4 : i32
    %dma_wait3A_149 = arith.constant 0 : i32
    %dma_wait3A_150 = tpu.memref_slice %arg5[%dma_wait3A_148, %dma_wait3A_149] : memref<50x128xi32, #tpu.memory_space<vmem>> -> memref<1x128xi32, #tpu.memory_space<vmem>>
    %dma_wait3A_151 = tpu.memref_squeeze %dma_wait3A_150 : memref<1x128xi32, #tpu.memory_space<vmem>> -> memref<128xi32, #tpu.memory_space<vmem>>
    %dma_wait3A_152 = arith.constant 0 : i32
    %dma_wait3A_153 = arith.constant 0 : i32
    %dma_wait3A_154 = tpu.memref_slice %arg3[%dma_wait3A_152, %dma_wait3A_153] : memref<100000x128xf32, #tpu.memory_space<hbm>> -> memref<100000x128xf32, #tpu.memory_space<hbm>>
    tpu.wait_indirect_dma semaphore(%arg17 : memref<!tpu.dma_semaphore, #tpu.memory_space<semaphore_mem>>) src(%dma_wait3A_154 : memref<100000x128xf32, #tpu.memory_space<hbm>>) dst(%arg10 : memref<128x128xf32, #tpu.memory_space<vmem>>)
    %dma_start3A_155 = arith.constant 4 : i32
    %dma_start3A_156 = arith.constant 0 : i32
    %dma_start3A_157 = tpu.memref_slice %arg4[%dma_start3A_155, %mul3A_2, %dma_start3A_156] : memref<50x4096x128xf32, #tpu.memory_space<hbm>> -> memref<1x128x128xf32, #tpu.memory_space<hbm>>
    %dma_start3A_158 = tpu.memref_squeeze %dma_start3A_157 : memref<1x128x128xf32, #tpu.memory_space<hbm>> -> memref<128x128xf32, #tpu.memory_space<hbm>>
    %dma_start3A_159 = arith.constant 0 : i32
    %dma_start3A_160 = tpu.memref_slice %arg4[%dma_start3A_155, %mul3A_2, %dma_start3A_159] : memref<50x4096x128xf32, #tpu.memory_space<hbm>> -> memref<1x128x128xf32, #tpu.memory_space<hbm>>
    %dma_start3A_161 = tpu.memref_squeeze %dma_start3A_160 : memref<1x128x128xf32, #tpu.memory_space<hbm>> -> memref<128x128xf32, #tpu.memory_space<hbm>>
    tpu.enqueue_dma source(%arg10 : memref<128x128xf32, #tpu.memory_space<vmem>>) target(%dma_start3A_161 : memref<128x128xf32, #tpu.memory_space<hbm>>) target_semaphore(%arg24 : memref<!tpu.dma_semaphore, #tpu.memory_space<semaphore_mem>>)
    %dma_wait3A_162 = arith.constant 3 : i32
    %dma_wait3A_163 = arith.constant 0 : i32
    %dma_wait3A_164 = tpu.memref_slice %arg4[%dma_wait3A_162, %mul3A_2, %dma_wait3A_163] : memref<50x4096x128xf32, #tpu.memory_space<hbm>> -> memref<1x128x128xf32, #tpu.memory_space<hbm>>
    %dma_wait3A_165 = tpu.memref_squeeze %dma_wait3A_164 : memref<1x128x128xf32, #tpu.memory_space<hbm>> -> memref<128x128xf32, #tpu.memory_space<hbm>>
    %dma_wait3A_166 = arith.constant 0 : i32
    %dma_wait3A_167 = tpu.memref_slice %arg4[%dma_wait3A_162, %mul3A_2, %dma_wait3A_166] : memref<50x4096x128xf32, #tpu.memory_space<hbm>> -> memref<1x128x128xf32, #tpu.memory_space<hbm>>
    %dma_wait3A_168 = tpu.memref_squeeze %dma_wait3A_167 : memref<1x128x128xf32, #tpu.memory_space<hbm>> -> memref<128x128xf32, #tpu.memory_space<hbm>>
    tpu.wait_dma2 semaphore(%arg23 : memref<!tpu.dma_semaphore, #tpu.memory_space<semaphore_mem>>) src(%arg9 : memref<128x128xf32, #tpu.memory_space<vmem>>) dst(%dma_wait3A_168 : memref<128x128xf32, #tpu.memory_space<hbm>>)
    %dma_start3A_169 = arith.constant 10 : i32
    %dma_start3A_170 = arith.constant 0 : i32
    %dma_start3A_171 = tpu.memref_slice %arg5[%dma_start3A_169, %dma_start3A_170] : memref<50x128xi32, #tpu.memory_space<vmem>> -> memref<1x128xi32, #tpu.memory_space<vmem>>
    %dma_start3A_172 = tpu.memref_squeeze %dma_start3A_171 : memref<1x128xi32, #tpu.memory_space<vmem>> -> memref<128xi32, #tpu.memory_space<vmem>>
    %dma_start3A_173 = arith.constant 0 : i32
    %dma_start3A_174 = arith.constant 0 : i32
    %dma_start3A_175 = tpu.memref_slice %arg3[%dma_start3A_173, %dma_start3A_174] : memref<100000x128xf32, #tpu.memory_space<hbm>> -> memref<100000x128xf32, #tpu.memory_space<hbm>>
    tpu.enqueue_indirect_dma source(%dma_start3A_175 : memref<100000x128xf32, #tpu.memory_space<hbm>>) target(%arg9 : memref<128x128xf32, #tpu.memory_space<vmem>>) offsets(%dma_start3A_172 : memref<128xi32, #tpu.memory_space<vmem>>) semaphore(%arg16 : memref<!tpu.dma_semaphore, #tpu.memory_space<semaphore_mem>>)
    %dma_wait3A_176 = arith.constant 5 : i32
    %dma_wait3A_177 = arith.constant 0 : i32
    %dma_wait3A_178 = tpu.memref_slice %arg5[%dma_wait3A_176, %dma_wait3A_177] : memref<50x128xi32, #tpu.memory_space<vmem>> -> memref<1x128xi32, #tpu.memory_space<vmem>>
    %dma_wait3A_179 = tpu.memref_squeeze %dma_wait3A_178 : memref<1x128xi32, #tpu.memory_space<vmem>> -> memref<128xi32, #tpu.memory_space<vmem>>
    %dma_wait3A_180 = arith.constant 0 : i32
    %dma_wait3A_181 = arith.constant 0 : i32
    %dma_wait3A_182 = tpu.memref_slice %arg3[%dma_wait3A_180, %dma_wait3A_181] : memref<100000x128xf32, #tpu.memory_space<hbm>> -> memref<100000x128xf32, #tpu.memory_space<hbm>>
    tpu.wait_indirect_dma semaphore(%arg18 : memref<!tpu.dma_semaphore, #tpu.memory_space<semaphore_mem>>) src(%dma_wait3A_182 : memref<100000x128xf32, #tpu.memory_space<hbm>>) dst(%arg11 : memref<128x128xf32, #tpu.memory_space<vmem>>)
    %dma_start3A_183 = arith.constant 5 : i32
    %dma_start3A_184 = arith.constant 0 : i32
    %dma_start3A_185 = tpu.memref_slice %arg4[%dma_start3A_183, %mul3A_2, %dma_start3A_184] : memref<50x4096x128xf32, #tpu.memory_space<hbm>> -> memref<1x128x128xf32, #tpu.memory_space<hbm>>
    %dma_start3A_186 = tpu.memref_squeeze %dma_start3A_185 : memref<1x128x128xf32, #tpu.memory_space<hbm>> -> memref<128x128xf32, #tpu.memory_space<hbm>>
    %dma_start3A_187 = arith.constant 0 : i32
    %dma_start3A_188 = tpu.memref_slice %arg4[%dma_start3A_183, %mul3A_2, %dma_start3A_187] : memref<50x4096x128xf32, #tpu.memory_space<hbm>> -> memref<1x128x128xf32, #tpu.memory_space<hbm>>
    %dma_start3A_189 = tpu.memref_squeeze %dma_start3A_188 : memref<1x128x128xf32, #tpu.memory_space<hbm>> -> memref<128x128xf32, #tpu.memory_space<hbm>>
    tpu.enqueue_dma source(%arg11 : memref<128x128xf32, #tpu.memory_space<vmem>>) target(%dma_start3A_189 : memref<128x128xf32, #tpu.memory_space<hbm>>) target_semaphore(%arg25 : memref<!tpu.dma_semaphore, #tpu.memory_space<semaphore_mem>>)
    %dma_wait3A_190 = arith.constant 4 : i32
    %dma_wait3A_191 = arith.constant 0 : i32
    %dma_wait3A_192 = tpu.memref_slice %arg4[%dma_wait3A_190, %mul3A_2, %dma_wait3A_191] : memref<50x4096x128xf32, #tpu.memory_space<hbm>> -> memref<1x128x128xf32, #tpu.memory_space<hbm>>
    %dma_wait3A_193 = tpu.memref_squeeze %dma_wait3A_192 : memref<1x128x128xf32, #tpu.memory_space<hbm>> -> memref<128x128xf32, #tpu.memory_space<hbm>>
    %dma_wait3A_194 = arith.constant 0 : i32
    %dma_wait3A_195 = tpu.memref_slice %arg4[%dma_wait3A_190, %mul3A_2, %dma_wait3A_194] : memref<50x4096x128xf32, #tpu.memory_space<hbm>> -> memref<1x128x128xf32, #tpu.memory_space<hbm>>
    %dma_wait3A_196 = tpu.memref_squeeze %dma_wait3A_195 : memref<1x128x128xf32, #tpu.memory_space<hbm>> -> memref<128x128xf32, #tpu.memory_space<hbm>>
    tpu.wait_dma2 semaphore(%arg24 : memref<!tpu.dma_semaphore, #tpu.memory_space<semaphore_mem>>) src(%arg10 : memref<128x128xf32, #tpu.memory_space<vmem>>) dst(%dma_wait3A_196 : memref<128x128xf32, #tpu.memory_space<hbm>>)
    %dma_start3A_197 = arith.constant 11 : i32
    %dma_start3A_198 = arith.constant 0 : i32
    %dma_start3A_199 = tpu.memref_slice %arg5[%dma_start3A_197, %dma_start3A_198] : memref<50x128xi32, #tpu.memory_space<vmem>> -> memref<1x128xi32, #tpu.memory_space<vmem>>
    %dma_start3A_200 = tpu.memref_squeeze %dma_start3A_199 : memref<1x128xi32, #tpu.memory_space<vmem>> -> memref<128xi32, #tpu.memory_space<vmem>>
    %dma_start3A_201 = arith.constant 0 : i32
    %dma_start3A_202 = arith.constant 0 : i32
    %dma_start3A_203 = tpu.memref_slice %arg3[%dma_start3A_201, %dma_start3A_202] : memref<100000x128xf32, #tpu.memory_space<hbm>> -> memref<100000x128xf32, #tpu.memory_space<hbm>>
    tpu.enqueue_indirect_dma source(%dma_start3A_203 : memref<100000x128xf32, #tpu.memory_space<hbm>>) target(%arg10 : memref<128x128xf32, #tpu.memory_space<vmem>>) offsets(%dma_start3A_200 : memref<128xi32, #tpu.memory_space<vmem>>) semaphore(%arg17 : memref<!tpu.dma_semaphore, #tpu.memory_space<semaphore_mem>>)
    %dma_wait3A_204 = arith.constant 6 : i32
    %dma_wait3A_205 = arith.constant 0 : i32
    %dma_wait3A_206 = tpu.memref_slice %arg5[%dma_wait3A_204, %dma_wait3A_205] : memref<50x128xi32, #tpu.memory_space<vmem>> -> memref<1x128xi32, #tpu.memory_space<vmem>>
    %dma_wait3A_207 = tpu.memref_squeeze %dma_wait3A_206 : memref<1x128xi32, #tpu.memory_space<vmem>> -> memref<128xi32, #tpu.memory_space<vmem>>
    %dma_wait3A_208 = arith.constant 0 : i32
    %dma_wait3A_209 = arith.constant 0 : i32
    %dma_wait3A_210 = tpu.memref_slice %arg3[%dma_wait3A_208, %dma_wait3A_209] : memref<100000x128xf32, #tpu.memory_space<hbm>> -> memref<100000x128xf32, #tpu.memory_space<hbm>>
    tpu.wait_indirect_dma semaphore(%arg19 : memref<!tpu.dma_semaphore, #tpu.memory_space<semaphore_mem>>) src(%dma_wait3A_210 : memref<100000x128xf32, #tpu.memory_space<hbm>>) dst(%arg12 : memref<128x128xf32, #tpu.memory_space<vmem>>)
    %dma_start3A_211 = arith.constant 6 : i32
    %dma_start3A_212 = arith.constant 0 : i32
    %dma_start3A_213 = tpu.memref_slice %arg4[%dma_start3A_211, %mul3A_2, %dma_start3A_212] : memref<50x4096x128xf32, #tpu.memory_space<hbm>> -> memref<1x128x128xf32, #tpu.memory_space<hbm>>
    %dma_start3A_214 = tpu.memref_squeeze %dma_start3A_213 : memref<1x128x128xf32, #tpu.memory_space<hbm>> -> memref<128x128xf32, #tpu.memory_space<hbm>>
    %dma_start3A_215 = arith.constant 0 : i32
    %dma_start3A_216 = tpu.memref_slice %arg4[%dma_start3A_211, %mul3A_2, %dma_start3A_215] : memref<50x4096x128xf32, #tpu.memory_space<hbm>> -> memref<1x128x128xf32, #tpu.memory_space<hbm>>
    %dma_start3A_217 = tpu.memref_squeeze %dma_start3A_216 : memref<1x128x128xf32, #tpu.memory_space<hbm>> -> memref<128x128xf32, #tpu.memory_space<hbm>>
    tpu.enqueue_dma source(%arg12 : memref<128x128xf32, #tpu.memory_space<vmem>>) target(%dma_start3A_217 : memref<128x128xf32, #tpu.memory_space<hbm>>) target_semaphore(%arg26 : memref<!tpu.dma_semaphore, #tpu.memory_space<semaphore_mem>>)
    %dma_wait3A_218 = arith.constant 5 : i32
    %dma_wait3A_219 = arith.constant 0 : i32
    %dma_wait3A_220 = tpu.memref_slice %arg4[%dma_wait3A_218, %mul3A_2, %dma_wait3A_219] : memref<50x4096x128xf32, #tpu.memory_space<hbm>> -> memref<1x128x128xf32, #tpu.memory_space<hbm>>
    %dma_wait3A_221 = tpu.memref_squeeze %dma_wait3A_220 : memref<1x128x128xf32, #tpu.memory_space<hbm>> -> memref<128x128xf32, #tpu.memory_space<hbm>>
    %dma_wait3A_222 = arith.constant 0 : i32
    %dma_wait3A_223 = tpu.memref_slice %arg4[%dma_wait3A_218, %mul3A_2, %dma_wait3A_222] : memref<50x4096x128xf32, #tpu.memory_space<hbm>> -> memref<1x128x128xf32, #tpu.memory_space<hbm>>
    %dma_wait3A_224 = tpu.memref_squeeze %dma_wait3A_223 : memref<1x128x128xf32, #tpu.memory_space<hbm>> -> memref<128x128xf32, #tpu.memory_space<hbm>>
    tpu.wait_dma2 semaphore(%arg25 : memref<!tpu.dma_semaphore, #tpu.memory_space<semaphore_mem>>) src(%arg11 : memref<128x128xf32, #tpu.memory_space<vmem>>) dst(%dma_wait3A_224 : memref<128x128xf32, #tpu.memory_space<hbm>>)
    %dma_start3A_225 = arith.constant 12 : i32
    %dma_start3A_226 = arith.constant 0 : i32
    %dma_start3A_227 = tpu.memref_slice %arg5[%dma_start3A_225, %dma_start3A_226] : memref<50x128xi32, #tpu.memory_space<vmem>> -> memref<1x128xi32, #tpu.memory_space<vmem>>
    %dma_start3A_228 = tpu.memref_squeeze %dma_start3A_227 : memref<1x128xi32, #tpu.memory_space<vmem>> -> memref<128xi32, #tpu.memory_space<vmem>>
    %dma_start3A_229 = arith.constant 0 : i32
    %dma_start3A_230 = arith.constant 0 : i32
    %dma_start3A_231 = tpu.memref_slice %arg3[%dma_start3A_229, %dma_start3A_230] : memref<100000x128xf32, #tpu.memory_space<hbm>> -> memref<100000x128xf32, #tpu.memory_space<hbm>>
    tpu.enqueue_indirect_dma source(%dma_start3A_231 : memref<100000x128xf32, #tpu.memory_space<hbm>>) target(%arg11 : memref<128x128xf32, #tpu.memory_space<vmem>>) offsets(%dma_start3A_228 : memref<128xi32, #tpu.memory_space<vmem>>) semaphore(%arg18 : memref<!tpu.dma_semaphore, #tpu.memory_space<semaphore_mem>>)
    %scan3A = arith.constant 0 : i32
    %scan3A_232 = arith.constant 1 : i32
    %scan3A_233 = arith.constant 5 : i32
    %scan3A_234 = arith.addi %scan3A_232, %scan3A_233 : i32
    %scan3A_235 = arith.constant 1 : i32
    scf.for %scan3A_426 = %scan3A_232 to %scan3A_234 step %scan3A_235  : i32 {
      %mul3A_427 = arith.constant 7 : i32
      %mul3A_428 = arith.muli %scan3A_426, %mul3A_427 : i32
      %add3A_429 = arith.constant 0 : i32
      %add3A_430 = arith.addi %mul3A_428, %add3A_429 : i32
      %dma_wait3A_431 = arith.constant 0 : i32
      %dma_wait3A_432 = tpu.memref_slice %arg5[%add3A_430, %dma_wait3A_431] : memref<50x128xi32, #tpu.memory_space<vmem>> -> memref<1x128xi32, #tpu.memory_space<vmem>>
      %dma_wait3A_433 = tpu.memref_squeeze %dma_wait3A_432 : memref<1x128xi32, #tpu.memory_space<vmem>> -> memref<128xi32, #tpu.memory_space<vmem>>
      %dma_wait3A_434 = arith.constant 0 : i32
      %dma_wait3A_435 = arith.constant 0 : i32
      %dma_wait3A_436 = tpu.memref_slice %arg3[%dma_wait3A_434, %dma_wait3A_435] : memref<100000x128xf32, #tpu.memory_space<hbm>> -> memref<100000x128xf32, #tpu.memory_space<hbm>>
      tpu.wait_indirect_dma semaphore(%arg13 : memref<!tpu.dma_semaphore, #tpu.memory_space<semaphore_mem>>) src(%dma_wait3A_436 : memref<100000x128xf32, #tpu.memory_space<hbm>>) dst(%arg6 : memref<128x128xf32, #tpu.memory_space<vmem>>)
      %dma_start3A_437 = arith.constant 0 : i32
      %dma_start3A_438 = tpu.memref_slice %arg4[%add3A_430, %mul3A_2, %dma_start3A_437] : memref<50x4096x128xf32, #tpu.memory_space<hbm>> -> memref<1x128x128xf32, #tpu.memory_space<hbm>>
      %dma_start3A_439 = tpu.memref_squeeze %dma_start3A_438 : memref<1x128x128xf32, #tpu.memory_space<hbm>> -> memref<128x128xf32, #tpu.memory_space<hbm>>
      %dma_start3A_440 = arith.constant 0 : i32
      %dma_start3A_441 = tpu.memref_slice %arg4[%add3A_430, %mul3A_2, %dma_start3A_440] : memref<50x4096x128xf32, #tpu.memory_space<hbm>> -> memref<1x128x128xf32, #tpu.memory_space<hbm>>
      %dma_start3A_442 = tpu.memref_squeeze %dma_start3A_441 : memref<1x128x128xf32, #tpu.memory_space<hbm>> -> memref<128x128xf32, #tpu.memory_space<hbm>>
      tpu.enqueue_dma source(%arg6 : memref<128x128xf32, #tpu.memory_space<vmem>>) target(%dma_start3A_442 : memref<128x128xf32, #tpu.memory_space<hbm>>) target_semaphore(%arg20 : memref<!tpu.dma_semaphore, #tpu.memory_space<semaphore_mem>>)
      %sub3A = arith.constant 1 : i32
      %sub3A_443 = arith.subi %add3A_430, %sub3A : i32
      %dma_wait3A_444 = arith.constant 0 : i32
      %dma_wait3A_445 = tpu.memref_slice %arg4[%sub3A_443, %mul3A_2, %dma_wait3A_444] : memref<50x4096x128xf32, #tpu.memory_space<hbm>> -> memref<1x128x128xf32, #tpu.memory_space<hbm>>
      %dma_wait3A_446 = tpu.memref_squeeze %dma_wait3A_445 : memref<1x128x128xf32, #tpu.memory_space<hbm>> -> memref<128x128xf32, #tpu.memory_space<hbm>>
      %dma_wait3A_447 = arith.constant 0 : i32
      %dma_wait3A_448 = tpu.memref_slice %arg4[%sub3A_443, %mul3A_2, %dma_wait3A_447] : memref<50x4096x128xf32, #tpu.memory_space<hbm>> -> memref<1x128x128xf32, #tpu.memory_space<hbm>>
      %dma_wait3A_449 = tpu.memref_squeeze %dma_wait3A_448 : memref<1x128x128xf32, #tpu.memory_space<hbm>> -> memref<128x128xf32, #tpu.memory_space<hbm>>
      tpu.wait_dma2 semaphore(%arg26 : memref<!tpu.dma_semaphore, #tpu.memory_space<semaphore_mem>>) src(%arg12 : memref<128x128xf32, #tpu.memory_space<vmem>>) dst(%dma_wait3A_449 : memref<128x128xf32, #tpu.memory_space<hbm>>)
      %add3A_450 = arith.constant 6 : i32
      %add3A_451 = arith.addi %add3A_430, %add3A_450 : i32
      %dma_start3A_452 = arith.constant 0 : i32
      %dma_start3A_453 = tpu.memref_slice %arg5[%add3A_451, %dma_start3A_452] : memref<50x128xi32, #tpu.memory_space<vmem>> -> memref<1x128xi32, #tpu.memory_space<vmem>>
      %dma_start3A_454 = tpu.memref_squeeze %dma_start3A_453 : memref<1x128xi32, #tpu.memory_space<vmem>> -> memref<128xi32, #tpu.memory_space<vmem>>
      %dma_start3A_455 = arith.constant 0 : i32
      %dma_start3A_456 = arith.constant 0 : i32
      %dma_start3A_457 = tpu.memref_slice %arg3[%dma_start3A_455, %dma_start3A_456] : memref<100000x128xf32, #tpu.memory_space<hbm>> -> memref<100000x128xf32, #tpu.memory_space<hbm>>
      tpu.enqueue_indirect_dma source(%dma_start3A_457 : memref<100000x128xf32, #tpu.memory_space<hbm>>) target(%arg12 : memref<128x128xf32, #tpu.memory_space<vmem>>) offsets(%dma_start3A_454 : memref<128xi32, #tpu.memory_space<vmem>>) semaphore(%arg19 : memref<!tpu.dma_semaphore, #tpu.memory_space<semaphore_mem>>)
      %add3A_458 = arith.constant 1 : i32
      %add3A_459 = arith.addi %mul3A_428, %add3A_458 : i32
      %dma_wait3A_460 = arith.constant 0 : i32
      %dma_wait3A_461 = tpu.memref_slice %arg5[%add3A_459, %dma_wait3A_460] : memref<50x128xi32, #tpu.memory_space<vmem>> -> memref<1x128xi32, #tpu.memory_space<vmem>>
      %dma_wait3A_462 = tpu.memref_squeeze %dma_wait3A_461 : memref<1x128xi32, #tpu.memory_space<vmem>> -> memref<128xi32, #tpu.memory_space<vmem>>
      %dma_wait3A_463 = arith.constant 0 : i32
      %dma_wait3A_464 = arith.constant 0 : i32
      %dma_wait3A_465 = tpu.memref_slice %arg3[%dma_wait3A_463, %dma_wait3A_464] : memref<100000x128xf32, #tpu.memory_space<hbm>> -> memref<100000x128xf32, #tpu.memory_space<hbm>>
      tpu.wait_indirect_dma semaphore(%arg14 : memref<!tpu.dma_semaphore, #tpu.memory_space<semaphore_mem>>) src(%dma_wait3A_465 : memref<100000x128xf32, #tpu.memory_space<hbm>>) dst(%arg7 : memref<128x128xf32, #tpu.memory_space<vmem>>)
      %dma_start3A_466 = arith.constant 0 : i32
      %dma_start3A_467 = tpu.memref_slice %arg4[%add3A_459, %mul3A_2, %dma_start3A_466] : memref<50x4096x128xf32, #tpu.memory_space<hbm>> -> memref<1x128x128xf32, #tpu.memory_space<hbm>>
      %dma_start3A_468 = tpu.memref_squeeze %dma_start3A_467 : memref<1x128x128xf32, #tpu.memory_space<hbm>> -> memref<128x128xf32, #tpu.memory_space<hbm>>
      %dma_start3A_469 = arith.constant 0 : i32
      %dma_start3A_470 = tpu.memref_slice %arg4[%add3A_459, %mul3A_2, %dma_start3A_469] : memref<50x4096x128xf32, #tpu.memory_space<hbm>> -> memref<1x128x128xf32, #tpu.memory_space<hbm>>
      %dma_start3A_471 = tpu.memref_squeeze %dma_start3A_470 : memref<1x128x128xf32, #tpu.memory_space<hbm>> -> memref<128x128xf32, #tpu.memory_space<hbm>>
      tpu.enqueue_dma source(%arg7 : memref<128x128xf32, #tpu.memory_space<vmem>>) target(%dma_start3A_471 : memref<128x128xf32, #tpu.memory_space<hbm>>) target_semaphore(%arg21 : memref<!tpu.dma_semaphore, #tpu.memory_space<semaphore_mem>>)
      %sub3A_472 = arith.constant 1 : i32
      %sub3A_473 = arith.subi %add3A_459, %sub3A_472 : i32
      %dma_wait3A_474 = arith.constant 0 : i32
      %dma_wait3A_475 = tpu.memref_slice %arg4[%sub3A_473, %mul3A_2, %dma_wait3A_474] : memref<50x4096x128xf32, #tpu.memory_space<hbm>> -> memref<1x128x128xf32, #tpu.memory_space<hbm>>
      %dma_wait3A_476 = tpu.memref_squeeze %dma_wait3A_475 : memref<1x128x128xf32, #tpu.memory_space<hbm>> -> memref<128x128xf32, #tpu.memory_space<hbm>>
      %dma_wait3A_477 = arith.constant 0 : i32
      %dma_wait3A_478 = tpu.memref_slice %arg4[%sub3A_473, %mul3A_2, %dma_wait3A_477] : memref<50x4096x128xf32, #tpu.memory_space<hbm>> -> memref<1x128x128xf32, #tpu.memory_space<hbm>>
      %dma_wait3A_479 = tpu.memref_squeeze %dma_wait3A_478 : memref<1x128x128xf32, #tpu.memory_space<hbm>> -> memref<128x128xf32, #tpu.memory_space<hbm>>
      tpu.wait_dma2 semaphore(%arg20 : memref<!tpu.dma_semaphore, #tpu.memory_space<semaphore_mem>>) src(%arg6 : memref<128x128xf32, #tpu.memory_space<vmem>>) dst(%dma_wait3A_479 : memref<128x128xf32, #tpu.memory_space<hbm>>)
      %add3A_480 = arith.constant 6 : i32
      %add3A_481 = arith.addi %add3A_459, %add3A_480 : i32
      %dma_start3A_482 = arith.constant 0 : i32
      %dma_start3A_483 = tpu.memref_slice %arg5[%add3A_481, %dma_start3A_482] : memref<50x128xi32, #tpu.memory_space<vmem>> -> memref<1x128xi32, #tpu.memory_space<vmem>>
      %dma_start3A_484 = tpu.memref_squeeze %dma_start3A_483 : memref<1x128xi32, #tpu.memory_space<vmem>> -> memref<128xi32, #tpu.memory_space<vmem>>
      %dma_start3A_485 = arith.constant 0 : i32
      %dma_start3A_486 = arith.constant 0 : i32
      %dma_start3A_487 = tpu.memref_slice %arg3[%dma_start3A_485, %dma_start3A_486] : memref<100000x128xf32, #tpu.memory_space<hbm>> -> memref<100000x128xf32, #tpu.memory_space<hbm>>
      tpu.enqueue_indirect_dma source(%dma_start3A_487 : memref<100000x128xf32, #tpu.memory_space<hbm>>) target(%arg6 : memref<128x128xf32, #tpu.memory_space<vmem>>) offsets(%dma_start3A_484 : memref<128xi32, #tpu.memory_space<vmem>>) semaphore(%arg13 : memref<!tpu.dma_semaphore, #tpu.memory_space<semaphore_mem>>)
      %add3A_488 = arith.constant 2 : i32
      %add3A_489 = arith.addi %mul3A_428, %add3A_488 : i32
      %dma_wait3A_490 = arith.constant 0 : i32
      %dma_wait3A_491 = tpu.memref_slice %arg5[%add3A_489, %dma_wait3A_490] : memref<50x128xi32, #tpu.memory_space<vmem>> -> memref<1x128xi32, #tpu.memory_space<vmem>>
      %dma_wait3A_492 = tpu.memref_squeeze %dma_wait3A_491 : memref<1x128xi32, #tpu.memory_space<vmem>> -> memref<128xi32, #tpu.memory_space<vmem>>
      %dma_wait3A_493 = arith.constant 0 : i32
      %dma_wait3A_494 = arith.constant 0 : i32
      %dma_wait3A_495 = tpu.memref_slice %arg3[%dma_wait3A_493, %dma_wait3A_494] : memref<100000x128xf32, #tpu.memory_space<hbm>> -> memref<100000x128xf32, #tpu.memory_space<hbm>>
      tpu.wait_indirect_dma semaphore(%arg15 : memref<!tpu.dma_semaphore, #tpu.memory_space<semaphore_mem>>) src(%dma_wait3A_495 : memref<100000x128xf32, #tpu.memory_space<hbm>>) dst(%arg8 : memref<128x128xf32, #tpu.memory_space<vmem>>)
      %dma_start3A_496 = arith.constant 0 : i32
      %dma_start3A_497 = tpu.memref_slice %arg4[%add3A_489, %mul3A_2, %dma_start3A_496] : memref<50x4096x128xf32, #tpu.memory_space<hbm>> -> memref<1x128x128xf32, #tpu.memory_space<hbm>>
      %dma_start3A_498 = tpu.memref_squeeze %dma_start3A_497 : memref<1x128x128xf32, #tpu.memory_space<hbm>> -> memref<128x128xf32, #tpu.memory_space<hbm>>
      %dma_start3A_499 = arith.constant 0 : i32
      %dma_start3A_500 = tpu.memref_slice %arg4[%add3A_489, %mul3A_2, %dma_start3A_499] : memref<50x4096x128xf32, #tpu.memory_space<hbm>> -> memref<1x128x128xf32, #tpu.memory_space<hbm>>
      %dma_start3A_501 = tpu.memref_squeeze %dma_start3A_500 : memref<1x128x128xf32, #tpu.memory_space<hbm>> -> memref<128x128xf32, #tpu.memory_space<hbm>>
      tpu.enqueue_dma source(%arg8 : memref<128x128xf32, #tpu.memory_space<vmem>>) target(%dma_start3A_501 : memref<128x128xf32, #tpu.memory_space<hbm>>) target_semaphore(%arg22 : memref<!tpu.dma_semaphore, #tpu.memory_space<semaphore_mem>>)
      %sub3A_502 = arith.constant 1 : i32
      %sub3A_503 = arith.subi %add3A_489, %sub3A_502 : i32
      %dma_wait3A_504 = arith.constant 0 : i32
      %dma_wait3A_505 = tpu.memref_slice %arg4[%sub3A_503, %mul3A_2, %dma_wait3A_504] : memref<50x4096x128xf32, #tpu.memory_space<hbm>> -> memref<1x128x128xf32, #tpu.memory_space<hbm>>
      %dma_wait3A_506 = tpu.memref_squeeze %dma_wait3A_505 : memref<1x128x128xf32, #tpu.memory_space<hbm>> -> memref<128x128xf32, #tpu.memory_space<hbm>>
      %dma_wait3A_507 = arith.constant 0 : i32
      %dma_wait3A_508 = tpu.memref_slice %arg4[%sub3A_503, %mul3A_2, %dma_wait3A_507] : memref<50x4096x128xf32, #tpu.memory_space<hbm>> -> memref<1x128x128xf32, #tpu.memory_space<hbm>>
      %dma_wait3A_509 = tpu.memref_squeeze %dma_wait3A_508 : memref<1x128x128xf32, #tpu.memory_space<hbm>> -> memref<128x128xf32, #tpu.memory_space<hbm>>
      tpu.wait_dma2 semaphore(%arg21 : memref<!tpu.dma_semaphore, #tpu.memory_space<semaphore_mem>>) src(%arg7 : memref<128x128xf32, #tpu.memory_space<vmem>>) dst(%dma_wait3A_509 : memref<128x128xf32, #tpu.memory_space<hbm>>)
      %add3A_510 = arith.constant 6 : i32
      %add3A_511 = arith.addi %add3A_489, %add3A_510 : i32
      %dma_start3A_512 = arith.constant 0 : i32
      %dma_start3A_513 = tpu.memref_slice %arg5[%add3A_511, %dma_start3A_512] : memref<50x128xi32, #tpu.memory_space<vmem>> -> memref<1x128xi32, #tpu.memory_space<vmem>>
      %dma_start3A_514 = tpu.memref_squeeze %dma_start3A_513 : memref<1x128xi32, #tpu.memory_space<vmem>> -> memref<128xi32, #tpu.memory_space<vmem>>
      %dma_start3A_515 = arith.constant 0 : i32
      %dma_start3A_516 = arith.constant 0 : i32
      %dma_start3A_517 = tpu.memref_slice %arg3[%dma_start3A_515, %dma_start3A_516] : memref<100000x128xf32, #tpu.memory_space<hbm>> -> memref<100000x128xf32, #tpu.memory_space<hbm>>
      tpu.enqueue_indirect_dma source(%dma_start3A_517 : memref<100000x128xf32, #tpu.memory_space<hbm>>) target(%arg7 : memref<128x128xf32, #tpu.memory_space<vmem>>) offsets(%dma_start3A_514 : memref<128xi32, #tpu.memory_space<vmem>>) semaphore(%arg14 : memref<!tpu.dma_semaphore, #tpu.memory_space<semaphore_mem>>)
      %add3A_518 = arith.constant 3 : i32
      %add3A_519 = arith.addi %mul3A_428, %add3A_518 : i32
      %dma_wait3A_520 = arith.constant 0 : i32
      %dma_wait3A_521 = tpu.memref_slice %arg5[%add3A_519, %dma_wait3A_520] : memref<50x128xi32, #tpu.memory_space<vmem>> -> memref<1x128xi32, #tpu.memory_space<vmem>>
      %dma_wait3A_522 = tpu.memref_squeeze %dma_wait3A_521 : memref<1x128xi32, #tpu.memory_space<vmem>> -> memref<128xi32, #tpu.memory_space<vmem>>
      %dma_wait3A_523 = arith.constant 0 : i32
      %dma_wait3A_524 = arith.constant 0 : i32
      %dma_wait3A_525 = tpu.memref_slice %arg3[%dma_wait3A_523, %dma_wait3A_524] : memref<100000x128xf32, #tpu.memory_space<hbm>> -> memref<100000x128xf32, #tpu.memory_space<hbm>>
      tpu.wait_indirect_dma semaphore(%arg16 : memref<!tpu.dma_semaphore, #tpu.memory_space<semaphore_mem>>) src(%dma_wait3A_525 : memref<100000x128xf32, #tpu.memory_space<hbm>>) dst(%arg9 : memref<128x128xf32, #tpu.memory_space<vmem>>)
      %dma_start3A_526 = arith.constant 0 : i32
      %dma_start3A_527 = tpu.memref_slice %arg4[%add3A_519, %mul3A_2, %dma_start3A_526] : memref<50x4096x128xf32, #tpu.memory_space<hbm>> -> memref<1x128x128xf32, #tpu.memory_space<hbm>>
      %dma_start3A_528 = tpu.memref_squeeze %dma_start3A_527 : memref<1x128x128xf32, #tpu.memory_space<hbm>> -> memref<128x128xf32, #tpu.memory_space<hbm>>
      %dma_start3A_529 = arith.constant 0 : i32
      %dma_start3A_530 = tpu.memref_slice %arg4[%add3A_519, %mul3A_2, %dma_start3A_529] : memref<50x4096x128xf32, #tpu.memory_space<hbm>> -> memref<1x128x128xf32, #tpu.memory_space<hbm>>
      %dma_start3A_531 = tpu.memref_squeeze %dma_start3A_530 : memref<1x128x128xf32, #tpu.memory_space<hbm>> -> memref<128x128xf32, #tpu.memory_space<hbm>>
      tpu.enqueue_dma source(%arg9 : memref<128x128xf32, #tpu.memory_space<vmem>>) target(%dma_start3A_531 : memref<128x128xf32, #tpu.memory_space<hbm>>) target_semaphore(%arg23 : memref<!tpu.dma_semaphore, #tpu.memory_space<semaphore_mem>>)
      %sub3A_532 = arith.constant 1 : i32
      %sub3A_533 = arith.subi %add3A_519, %sub3A_532 : i32
      %dma_wait3A_534 = arith.constant 0 : i32
      %dma_wait3A_535 = tpu.memref_slice %arg4[%sub3A_533, %mul3A_2, %dma_wait3A_534] : memref<50x4096x128xf32, #tpu.memory_space<hbm>> -> memref<1x128x128xf32, #tpu.memory_space<hbm>>
      %dma_wait3A_536 = tpu.memref_squeeze %dma_wait3A_535 : memref<1x128x128xf32, #tpu.memory_space<hbm>> -> memref<128x128xf32, #tpu.memory_space<hbm>>
      %dma_wait3A_537 = arith.constant 0 : i32
      %dma_wait3A_538 = tpu.memref_slice %arg4[%sub3A_533, %mul3A_2, %dma_wait3A_537] : memref<50x4096x128xf32, #tpu.memory_space<hbm>> -> memref<1x128x128xf32, #tpu.memory_space<hbm>>
      %dma_wait3A_539 = tpu.memref_squeeze %dma_wait3A_538 : memref<1x128x128xf32, #tpu.memory_space<hbm>> -> memref<128x128xf32, #tpu.memory_space<hbm>>
      tpu.wait_dma2 semaphore(%arg22 : memref<!tpu.dma_semaphore, #tpu.memory_space<semaphore_mem>>) src(%arg8 : memref<128x128xf32, #tpu.memory_space<vmem>>) dst(%dma_wait3A_539 : memref<128x128xf32, #tpu.memory_space<hbm>>)
      %add3A_540 = arith.constant 6 : i32
      %add3A_541 = arith.addi %add3A_519, %add3A_540 : i32
      %dma_start3A_542 = arith.constant 0 : i32
      %dma_start3A_543 = tpu.memref_slice %arg5[%add3A_541, %dma_start3A_542] : memref<50x128xi32, #tpu.memory_space<vmem>> -> memref<1x128xi32, #tpu.memory_space<vmem>>
      %dma_start3A_544 = tpu.memref_squeeze %dma_start3A_543 : memref<1x128xi32, #tpu.memory_space<vmem>> -> memref<128xi32, #tpu.memory_space<vmem>>
      %dma_start3A_545 = arith.constant 0 : i32
      %dma_start3A_546 = arith.constant 0 : i32
      %dma_start3A_547 = tpu.memref_slice %arg3[%dma_start3A_545, %dma_start3A_546] : memref<100000x128xf32, #tpu.memory_space<hbm>> -> memref<100000x128xf32, #tpu.memory_space<hbm>>
      tpu.enqueue_indirect_dma source(%dma_start3A_547 : memref<100000x128xf32, #tpu.memory_space<hbm>>) target(%arg8 : memref<128x128xf32, #tpu.memory_space<vmem>>) offsets(%dma_start3A_544 : memref<128xi32, #tpu.memory_space<vmem>>) semaphore(%arg15 : memref<!tpu.dma_semaphore, #tpu.memory_space<semaphore_mem>>)
      %add3A_548 = arith.constant 4 : i32
      %add3A_549 = arith.addi %mul3A_428, %add3A_548 : i32
      %dma_wait3A_550 = arith.constant 0 : i32
      %dma_wait3A_551 = tpu.memref_slice %arg5[%add3A_549, %dma_wait3A_550] : memref<50x128xi32, #tpu.memory_space<vmem>> -> memref<1x128xi32, #tpu.memory_space<vmem>>
      %dma_wait3A_552 = tpu.memref_squeeze %dma_wait3A_551 : memref<1x128xi32, #tpu.memory_space<vmem>> -> memref<128xi32, #tpu.memory_space<vmem>>
      %dma_wait3A_553 = arith.constant 0 : i32
      %dma_wait3A_554 = arith.constant 0 : i32
      %dma_wait3A_555 = tpu.memref_slice %arg3[%dma_wait3A_553, %dma_wait3A_554] : memref<100000x128xf32, #tpu.memory_space<hbm>> -> memref<100000x128xf32, #tpu.memory_space<hbm>>
      tpu.wait_indirect_dma semaphore(%arg17 : memref<!tpu.dma_semaphore, #tpu.memory_space<semaphore_mem>>) src(%dma_wait3A_555 : memref<100000x128xf32, #tpu.memory_space<hbm>>) dst(%arg10 : memref<128x128xf32, #tpu.memory_space<vmem>>)
      %dma_start3A_556 = arith.constant 0 : i32
      %dma_start3A_557 = tpu.memref_slice %arg4[%add3A_549, %mul3A_2, %dma_start3A_556] : memref<50x4096x128xf32, #tpu.memory_space<hbm>> -> memref<1x128x128xf32, #tpu.memory_space<hbm>>
      %dma_start3A_558 = tpu.memref_squeeze %dma_start3A_557 : memref<1x128x128xf32, #tpu.memory_space<hbm>> -> memref<128x128xf32, #tpu.memory_space<hbm>>
      %dma_start3A_559 = arith.constant 0 : i32
      %dma_start3A_560 = tpu.memref_slice %arg4[%add3A_549, %mul3A_2, %dma_start3A_559] : memref<50x4096x128xf32, #tpu.memory_space<hbm>> -> memref<1x128x128xf32, #tpu.memory_space<hbm>>
      %dma_start3A_561 = tpu.memref_squeeze %dma_start3A_560 : memref<1x128x128xf32, #tpu.memory_space<hbm>> -> memref<128x128xf32, #tpu.memory_space<hbm>>
      tpu.enqueue_dma source(%arg10 : memref<128x128xf32, #tpu.memory_space<vmem>>) target(%dma_start3A_561 : memref<128x128xf32, #tpu.memory_space<hbm>>) target_semaphore(%arg24 : memref<!tpu.dma_semaphore, #tpu.memory_space<semaphore_mem>>)
      %sub3A_562 = arith.constant 1 : i32
      %sub3A_563 = arith.subi %add3A_549, %sub3A_562 : i32
      %dma_wait3A_564 = arith.constant 0 : i32
      %dma_wait3A_565 = tpu.memref_slice %arg4[%sub3A_563, %mul3A_2, %dma_wait3A_564] : memref<50x4096x128xf32, #tpu.memory_space<hbm>> -> memref<1x128x128xf32, #tpu.memory_space<hbm>>
      %dma_wait3A_566 = tpu.memref_squeeze %dma_wait3A_565 : memref<1x128x128xf32, #tpu.memory_space<hbm>> -> memref<128x128xf32, #tpu.memory_space<hbm>>
      %dma_wait3A_567 = arith.constant 0 : i32
      %dma_wait3A_568 = tpu.memref_slice %arg4[%sub3A_563, %mul3A_2, %dma_wait3A_567] : memref<50x4096x128xf32, #tpu.memory_space<hbm>> -> memref<1x128x128xf32, #tpu.memory_space<hbm>>
      %dma_wait3A_569 = tpu.memref_squeeze %dma_wait3A_568 : memref<1x128x128xf32, #tpu.memory_space<hbm>> -> memref<128x128xf32, #tpu.memory_space<hbm>>
      tpu.wait_dma2 semaphore(%arg23 : memref<!tpu.dma_semaphore, #tpu.memory_space<semaphore_mem>>) src(%arg9 : memref<128x128xf32, #tpu.memory_space<vmem>>) dst(%dma_wait3A_569 : memref<128x128xf32, #tpu.memory_space<hbm>>)
      %add3A_570 = arith.constant 6 : i32
      %add3A_571 = arith.addi %add3A_549, %add3A_570 : i32
      %dma_start3A_572 = arith.constant 0 : i32
      %dma_start3A_573 = tpu.memref_slice %arg5[%add3A_571, %dma_start3A_572] : memref<50x128xi32, #tpu.memory_space<vmem>> -> memref<1x128xi32, #tpu.memory_space<vmem>>
      %dma_start3A_574 = tpu.memref_squeeze %dma_start3A_573 : memref<1x128xi32, #tpu.memory_space<vmem>> -> memref<128xi32, #tpu.memory_space<vmem>>
      %dma_start3A_575 = arith.constant 0 : i32
      %dma_start3A_576 = arith.constant 0 : i32
      %dma_start3A_577 = tpu.memref_slice %arg3[%dma_start3A_575, %dma_start3A_576] : memref<100000x128xf32, #tpu.memory_space<hbm>> -> memref<100000x128xf32, #tpu.memory_space<hbm>>
      tpu.enqueue_indirect_dma source(%dma_start3A_577 : memref<100000x128xf32, #tpu.memory_space<hbm>>) target(%arg9 : memref<128x128xf32, #tpu.memory_space<vmem>>) offsets(%dma_start3A_574 : memref<128xi32, #tpu.memory_space<vmem>>) semaphore(%arg16 : memref<!tpu.dma_semaphore, #tpu.memory_space<semaphore_mem>>)
      %add3A_578 = arith.constant 5 : i32
      %add3A_579 = arith.addi %mul3A_428, %add3A_578 : i32
      %dma_wait3A_580 = arith.constant 0 : i32
      %dma_wait3A_581 = tpu.memref_slice %arg5[%add3A_579, %dma_wait3A_580] : memref<50x128xi32, #tpu.memory_space<vmem>> -> memref<1x128xi32, #tpu.memory_space<vmem>>
      %dma_wait3A_582 = tpu.memref_squeeze %dma_wait3A_581 : memref<1x128xi32, #tpu.memory_space<vmem>> -> memref<128xi32, #tpu.memory_space<vmem>>
      %dma_wait3A_583 = arith.constant 0 : i32
      %dma_wait3A_584 = arith.constant 0 : i32
      %dma_wait3A_585 = tpu.memref_slice %arg3[%dma_wait3A_583, %dma_wait3A_584] : memref<100000x128xf32, #tpu.memory_space<hbm>> -> memref<100000x128xf32, #tpu.memory_space<hbm>>
      tpu.wait_indirect_dma semaphore(%arg18 : memref<!tpu.dma_semaphore, #tpu.memory_space<semaphore_mem>>) src(%dma_wait3A_585 : memref<100000x128xf32, #tpu.memory_space<hbm>>) dst(%arg11 : memref<128x128xf32, #tpu.memory_space<vmem>>)
      %dma_start3A_586 = arith.constant 0 : i32
      %dma_start3A_587 = tpu.memref_slice %arg4[%add3A_579, %mul3A_2, %dma_start3A_586] : memref<50x4096x128xf32, #tpu.memory_space<hbm>> -> memref<1x128x128xf32, #tpu.memory_space<hbm>>
      %dma_start3A_588 = tpu.memref_squeeze %dma_start3A_587 : memref<1x128x128xf32, #tpu.memory_space<hbm>> -> memref<128x128xf32, #tpu.memory_space<hbm>>
      %dma_start3A_589 = arith.constant 0 : i32
      %dma_start3A_590 = tpu.memref_slice %arg4[%add3A_579, %mul3A_2, %dma_start3A_589] : memref<50x4096x128xf32, #tpu.memory_space<hbm>> -> memref<1x128x128xf32, #tpu.memory_space<hbm>>
      %dma_start3A_591 = tpu.memref_squeeze %dma_start3A_590 : memref<1x128x128xf32, #tpu.memory_space<hbm>> -> memref<128x128xf32, #tpu.memory_space<hbm>>
      tpu.enqueue_dma source(%arg11 : memref<128x128xf32, #tpu.memory_space<vmem>>) target(%dma_start3A_591 : memref<128x128xf32, #tpu.memory_space<hbm>>) target_semaphore(%arg25 : memref<!tpu.dma_semaphore, #tpu.memory_space<semaphore_mem>>)
      %sub3A_592 = arith.constant 1 : i32
      %sub3A_593 = arith.subi %add3A_579, %sub3A_592 : i32
      %dma_wait3A_594 = arith.constant 0 : i32
      %dma_wait3A_595 = tpu.memref_slice %arg4[%sub3A_593, %mul3A_2, %dma_wait3A_594] : memref<50x4096x128xf32, #tpu.memory_space<hbm>> -> memref<1x128x128xf32, #tpu.memory_space<hbm>>
      %dma_wait3A_596 = tpu.memref_squeeze %dma_wait3A_595 : memref<1x128x128xf32, #tpu.memory_space<hbm>> -> memref<128x128xf32, #tpu.memory_space<hbm>>
      %dma_wait3A_597 = arith.constant 0 : i32
      %dma_wait3A_598 = tpu.memref_slice %arg4[%sub3A_593, %mul3A_2, %dma_wait3A_597] : memref<50x4096x128xf32, #tpu.memory_space<hbm>> -> memref<1x128x128xf32, #tpu.memory_space<hbm>>
      %dma_wait3A_599 = tpu.memref_squeeze %dma_wait3A_598 : memref<1x128x128xf32, #tpu.memory_space<hbm>> -> memref<128x128xf32, #tpu.memory_space<hbm>>
      tpu.wait_dma2 semaphore(%arg24 : memref<!tpu.dma_semaphore, #tpu.memory_space<semaphore_mem>>) src(%arg10 : memref<128x128xf32, #tpu.memory_space<vmem>>) dst(%dma_wait3A_599 : memref<128x128xf32, #tpu.memory_space<hbm>>)
      %add3A_600 = arith.constant 6 : i32
      %add3A_601 = arith.addi %add3A_579, %add3A_600 : i32
      %dma_start3A_602 = arith.constant 0 : i32
      %dma_start3A_603 = tpu.memref_slice %arg5[%add3A_601, %dma_start3A_602] : memref<50x128xi32, #tpu.memory_space<vmem>> -> memref<1x128xi32, #tpu.memory_space<vmem>>
      %dma_start3A_604 = tpu.memref_squeeze %dma_start3A_603 : memref<1x128xi32, #tpu.memory_space<vmem>> -> memref<128xi32, #tpu.memory_space<vmem>>
      %dma_start3A_605 = arith.constant 0 : i32
      %dma_start3A_606 = arith.constant 0 : i32
      %dma_start3A_607 = tpu.memref_slice %arg3[%dma_start3A_605, %dma_start3A_606] : memref<100000x128xf32, #tpu.memory_space<hbm>> -> memref<100000x128xf32, #tpu.memory_space<hbm>>
      tpu.enqueue_indirect_dma source(%dma_start3A_607 : memref<100000x128xf32, #tpu.memory_space<hbm>>) target(%arg10 : memref<128x128xf32, #tpu.memory_space<vmem>>) offsets(%dma_start3A_604 : memref<128xi32, #tpu.memory_space<vmem>>) semaphore(%arg17 : memref<!tpu.dma_semaphore, #tpu.memory_space<semaphore_mem>>)
      %add3A_608 = arith.constant 6 : i32
      %add3A_609 = arith.addi %mul3A_428, %add3A_608 : i32
      %dma_wait3A_610 = arith.constant 0 : i32
      %dma_wait3A_611 = tpu.memref_slice %arg5[%add3A_609, %dma_wait3A_610] : memref<50x128xi32, #tpu.memory_space<vmem>> -> memref<1x128xi32, #tpu.memory_space<vmem>>
      %dma_wait3A_612 = tpu.memref_squeeze %dma_wait3A_611 : memref<1x128xi32, #tpu.memory_space<vmem>> -> memref<128xi32, #tpu.memory_space<vmem>>
      %dma_wait3A_613 = arith.constant 0 : i32
      %dma_wait3A_614 = arith.constant 0 : i32
      %dma_wait3A_615 = tpu.memref_slice %arg3[%dma_wait3A_613, %dma_wait3A_614] : memref<100000x128xf32, #tpu.memory_space<hbm>> -> memref<100000x128xf32, #tpu.memory_space<hbm>>
      tpu.wait_indirect_dma semaphore(%arg19 : memref<!tpu.dma_semaphore, #tpu.memory_space<semaphore_mem>>) src(%dma_wait3A_615 : memref<100000x128xf32, #tpu.memory_space<hbm>>) dst(%arg12 : memref<128x128xf32, #tpu.memory_space<vmem>>)
      %dma_start3A_616 = arith.constant 0 : i32
      %dma_start3A_617 = tpu.memref_slice %arg4[%add3A_609, %mul3A_2, %dma_start3A_616] : memref<50x4096x128xf32, #tpu.memory_space<hbm>> -> memref<1x128x128xf32, #tpu.memory_space<hbm>>
      %dma_start3A_618 = tpu.memref_squeeze %dma_start3A_617 : memref<1x128x128xf32, #tpu.memory_space<hbm>> -> memref<128x128xf32, #tpu.memory_space<hbm>>
      %dma_start3A_619 = arith.constant 0 : i32
      %dma_start3A_620 = tpu.memref_slice %arg4[%add3A_609, %mul3A_2, %dma_start3A_619] : memref<50x4096x128xf32, #tpu.memory_space<hbm>> -> memref<1x128x128xf32, #tpu.memory_space<hbm>>
      %dma_start3A_621 = tpu.memref_squeeze %dma_start3A_620 : memref<1x128x128xf32, #tpu.memory_space<hbm>> -> memref<128x128xf32, #tpu.memory_space<hbm>>
      tpu.enqueue_dma source(%arg12 : memref<128x128xf32, #tpu.memory_space<vmem>>) target(%dma_start3A_621 : memref<128x128xf32, #tpu.memory_space<hbm>>) target_semaphore(%arg26 : memref<!tpu.dma_semaphore, #tpu.memory_space<semaphore_mem>>)
      %sub3A_622 = arith.constant 1 : i32
      %sub3A_623 = arith.subi %add3A_609, %sub3A_622 : i32
      %dma_wait3A_624 = arith.constant 0 : i32
      %dma_wait3A_625 = tpu.memref_slice %arg4[%sub3A_623, %mul3A_2, %dma_wait3A_624] : memref<50x4096x128xf32, #tpu.memory_space<hbm>> -> memref<1x128x128xf32, #tpu.memory_space<hbm>>
      %dma_wait3A_626 = tpu.memref_squeeze %dma_wait3A_625 : memref<1x128x128xf32, #tpu.memory_space<hbm>> -> memref<128x128xf32, #tpu.memory_space<hbm>>
      %dma_wait3A_627 = arith.constant 0 : i32
      %dma_wait3A_628 = tpu.memref_slice %arg4[%sub3A_623, %mul3A_2, %dma_wait3A_627] : memref<50x4096x128xf32, #tpu.memory_space<hbm>> -> memref<1x128x128xf32, #tpu.memory_space<hbm>>
      %dma_wait3A_629 = tpu.memref_squeeze %dma_wait3A_628 : memref<1x128x128xf32, #tpu.memory_space<hbm>> -> memref<128x128xf32, #tpu.memory_space<hbm>>
      tpu.wait_dma2 semaphore(%arg25 : memref<!tpu.dma_semaphore, #tpu.memory_space<semaphore_mem>>) src(%arg11 : memref<128x128xf32, #tpu.memory_space<vmem>>) dst(%dma_wait3A_629 : memref<128x128xf32, #tpu.memory_space<hbm>>)
      %add3A_630 = arith.constant 6 : i32
      %add3A_631 = arith.addi %add3A_609, %add3A_630 : i32
      %dma_start3A_632 = arith.constant 0 : i32
      %dma_start3A_633 = tpu.memref_slice %arg5[%add3A_631, %dma_start3A_632] : memref<50x128xi32, #tpu.memory_space<vmem>> -> memref<1x128xi32, #tpu.memory_space<vmem>>
      %dma_start3A_634 = tpu.memref_squeeze %dma_start3A_633 : memref<1x128xi32, #tpu.memory_space<vmem>> -> memref<128xi32, #tpu.memory_space<vmem>>
      %dma_start3A_635 = arith.constant 0 : i32
      %dma_start3A_636 = arith.constant 0 : i32
      %dma_start3A_637 = tpu.memref_slice %arg3[%dma_start3A_635, %dma_start3A_636] : memref<100000x128xf32, #tpu.memory_space<hbm>> -> memref<100000x128xf32, #tpu.memory_space<hbm>>
      tpu.enqueue_indirect_dma source(%dma_start3A_637 : memref<100000x128xf32, #tpu.memory_space<hbm>>) target(%arg11 : memref<128x128xf32, #tpu.memory_space<vmem>>) offsets(%dma_start3A_634 : memref<128xi32, #tpu.memory_space<vmem>>) semaphore(%arg18 : memref<!tpu.dma_semaphore, #tpu.memory_space<semaphore_mem>>)
    }
    %scan3A_236 = arith.constant 5 : i32
    %dma_wait3A_237 = arith.constant 42 : i32
    %dma_wait3A_238 = arith.constant 0 : i32
    %dma_wait3A_239 = tpu.memref_slice %arg5[%dma_wait3A_237, %dma_wait3A_238] : memref<50x128xi32, #tpu.memory_space<vmem>> -> memref<1x128xi32, #tpu.memory_space<vmem>>
    %dma_wait3A_240 = tpu.memref_squeeze %dma_wait3A_239 : memref<1x128xi32, #tpu.memory_space<vmem>> -> memref<128xi32, #tpu.memory_space<vmem>>
    %dma_wait3A_241 = arith.constant 0 : i32
    %dma_wait3A_242 = arith.constant 0 : i32
    %dma_wait3A_243 = tpu.memref_slice %arg3[%dma_wait3A_241, %dma_wait3A_242] : memref<100000x128xf32, #tpu.memory_space<hbm>> -> memref<100000x128xf32, #tpu.memory_space<hbm>>
    tpu.wait_indirect_dma semaphore(%arg13 : memref<!tpu.dma_semaphore, #tpu.memory_space<semaphore_mem>>) src(%dma_wait3A_243 : memref<100000x128xf32, #tpu.memory_space<hbm>>) dst(%arg6 : memref<128x128xf32, #tpu.memory_space<vmem>>)
    %dma_start3A_244 = arith.constant 42 : i32
    %dma_start3A_245 = arith.constant 0 : i32
    %dma_start3A_246 = tpu.memref_slice %arg4[%dma_start3A_244, %mul3A_2, %dma_start3A_245] : memref<50x4096x128xf32, #tpu.memory_space<hbm>> -> memref<1x128x128xf32, #tpu.memory_space<hbm>>
    %dma_start3A_247 = tpu.memref_squeeze %dma_start3A_246 : memref<1x128x128xf32, #tpu.memory_space<hbm>> -> memref<128x128xf32, #tpu.memory_space<hbm>>
    %dma_start3A_248 = arith.constant 0 : i32
    %dma_start3A_249 = tpu.memref_slice %arg4[%dma_start3A_244, %mul3A_2, %dma_start3A_248] : memref<50x4096x128xf32, #tpu.memory_space<hbm>> -> memref<1x128x128xf32, #tpu.memory_space<hbm>>
    %dma_start3A_250 = tpu.memref_squeeze %dma_start3A_249 : memref<1x128x128xf32, #tpu.memory_space<hbm>> -> memref<128x128xf32, #tpu.memory_space<hbm>>
    tpu.enqueue_dma source(%arg6 : memref<128x128xf32, #tpu.memory_space<vmem>>) target(%dma_start3A_250 : memref<128x128xf32, #tpu.memory_space<hbm>>) target_semaphore(%arg20 : memref<!tpu.dma_semaphore, #tpu.memory_space<semaphore_mem>>)
    %dma_wait3A_251 = arith.constant 41 : i32
    %dma_wait3A_252 = arith.constant 0 : i32
    %dma_wait3A_253 = tpu.memref_slice %arg4[%dma_wait3A_251, %mul3A_2, %dma_wait3A_252] : memref<50x4096x128xf32, #tpu.memory_space<hbm>> -> memref<1x128x128xf32, #tpu.memory_space<hbm>>
    %dma_wait3A_254 = tpu.memref_squeeze %dma_wait3A_253 : memref<1x128x128xf32, #tpu.memory_space<hbm>> -> memref<128x128xf32, #tpu.memory_space<hbm>>
    %dma_wait3A_255 = arith.constant 0 : i32
    %dma_wait3A_256 = tpu.memref_slice %arg4[%dma_wait3A_251, %mul3A_2, %dma_wait3A_255] : memref<50x4096x128xf32, #tpu.memory_space<hbm>> -> memref<1x128x128xf32, #tpu.memory_space<hbm>>
    %dma_wait3A_257 = tpu.memref_squeeze %dma_wait3A_256 : memref<1x128x128xf32, #tpu.memory_space<hbm>> -> memref<128x128xf32, #tpu.memory_space<hbm>>
    tpu.wait_dma2 semaphore(%arg26 : memref<!tpu.dma_semaphore, #tpu.memory_space<semaphore_mem>>) src(%arg12 : memref<128x128xf32, #tpu.memory_space<vmem>>) dst(%dma_wait3A_257 : memref<128x128xf32, #tpu.memory_space<hbm>>)
    %dma_start3A_258 = arith.constant 48 : i32
    %dma_start3A_259 = arith.constant 0 : i32
    %dma_start3A_260 = tpu.memref_slice %arg5[%dma_start3A_258, %dma_start3A_259] : memref<50x128xi32, #tpu.memory_space<vmem>> -> memref<1x128xi32, #tpu.memory_space<vmem>>
    %dma_start3A_261 = tpu.memref_squeeze %dma_start3A_260 : memref<1x128xi32, #tpu.memory_space<vmem>> -> memref<128xi32, #tpu.memory_space<vmem>>
    %dma_start3A_262 = arith.constant 0 : i32
    %dma_start3A_263 = arith.constant 0 : i32
    %dma_start3A_264 = tpu.memref_slice %arg3[%dma_start3A_262, %dma_start3A_263] : memref<100000x128xf32, #tpu.memory_space<hbm>> -> memref<100000x128xf32, #tpu.memory_space<hbm>>
    tpu.enqueue_indirect_dma source(%dma_start3A_264 : memref<100000x128xf32, #tpu.memory_space<hbm>>) target(%arg12 : memref<128x128xf32, #tpu.memory_space<vmem>>) offsets(%dma_start3A_261 : memref<128xi32, #tpu.memory_space<vmem>>) semaphore(%arg19 : memref<!tpu.dma_semaphore, #tpu.memory_space<semaphore_mem>>)
    %dma_wait3A_265 = arith.constant 43 : i32
    %dma_wait3A_266 = arith.constant 0 : i32
    %dma_wait3A_267 = tpu.memref_slice %arg5[%dma_wait3A_265, %dma_wait3A_266] : memref<50x128xi32, #tpu.memory_space<vmem>> -> memref<1x128xi32, #tpu.memory_space<vmem>>
    %dma_wait3A_268 = tpu.memref_squeeze %dma_wait3A_267 : memref<1x128xi32, #tpu.memory_space<vmem>> -> memref<128xi32, #tpu.memory_space<vmem>>
    %dma_wait3A_269 = arith.constant 0 : i32
    %dma_wait3A_270 = arith.constant 0 : i32
    %dma_wait3A_271 = tpu.memref_slice %arg3[%dma_wait3A_269, %dma_wait3A_270] : memref<100000x128xf32, #tpu.memory_space<hbm>> -> memref<100000x128xf32, #tpu.memory_space<hbm>>
    tpu.wait_indirect_dma semaphore(%arg14 : memref<!tpu.dma_semaphore, #tpu.memory_space<semaphore_mem>>) src(%dma_wait3A_271 : memref<100000x128xf32, #tpu.memory_space<hbm>>) dst(%arg7 : memref<128x128xf32, #tpu.memory_space<vmem>>)
    %dma_start3A_272 = arith.constant 43 : i32
    %dma_start3A_273 = arith.constant 0 : i32
    %dma_start3A_274 = tpu.memref_slice %arg4[%dma_start3A_272, %mul3A_2, %dma_start3A_273] : memref<50x4096x128xf32, #tpu.memory_space<hbm>> -> memref<1x128x128xf32, #tpu.memory_space<hbm>>
    %dma_start3A_275 = tpu.memref_squeeze %dma_start3A_274 : memref<1x128x128xf32, #tpu.memory_space<hbm>> -> memref<128x128xf32, #tpu.memory_space<hbm>>
    %dma_start3A_276 = arith.constant 0 : i32
    %dma_start3A_277 = tpu.memref_slice %arg4[%dma_start3A_272, %mul3A_2, %dma_start3A_276] : memref<50x4096x128xf32, #tpu.memory_space<hbm>> -> memref<1x128x128xf32, #tpu.memory_space<hbm>>
    %dma_start3A_278 = tpu.memref_squeeze %dma_start3A_277 : memref<1x128x128xf32, #tpu.memory_space<hbm>> -> memref<128x128xf32, #tpu.memory_space<hbm>>
    tpu.enqueue_dma source(%arg7 : memref<128x128xf32, #tpu.memory_space<vmem>>) target(%dma_start3A_278 : memref<128x128xf32, #tpu.memory_space<hbm>>) target_semaphore(%arg21 : memref<!tpu.dma_semaphore, #tpu.memory_space<semaphore_mem>>)
    %dma_wait3A_279 = arith.constant 42 : i32
    %dma_wait3A_280 = arith.constant 0 : i32
    %dma_wait3A_281 = tpu.memref_slice %arg4[%dma_wait3A_279, %mul3A_2, %dma_wait3A_280] : memref<50x4096x128xf32, #tpu.memory_space<hbm>> -> memref<1x128x128xf32, #tpu.memory_space<hbm>>
    %dma_wait3A_282 = tpu.memref_squeeze %dma_wait3A_281 : memref<1x128x128xf32, #tpu.memory_space<hbm>> -> memref<128x128xf32, #tpu.memory_space<hbm>>
    %dma_wait3A_283 = arith.constant 0 : i32
    %dma_wait3A_284 = tpu.memref_slice %arg4[%dma_wait3A_279, %mul3A_2, %dma_wait3A_283] : memref<50x4096x128xf32, #tpu.memory_space<hbm>> -> memref<1x128x128xf32, #tpu.memory_space<hbm>>
    %dma_wait3A_285 = tpu.memref_squeeze %dma_wait3A_284 : memref<1x128x128xf32, #tpu.memory_space<hbm>> -> memref<128x128xf32, #tpu.memory_space<hbm>>
    tpu.wait_dma2 semaphore(%arg20 : memref<!tpu.dma_semaphore, #tpu.memory_space<semaphore_mem>>) src(%arg6 : memref<128x128xf32, #tpu.memory_space<vmem>>) dst(%dma_wait3A_285 : memref<128x128xf32, #tpu.memory_space<hbm>>)
    %dma_start3A_286 = arith.constant 49 : i32
    %dma_start3A_287 = arith.constant 0 : i32
    %dma_start3A_288 = tpu.memref_slice %arg5[%dma_start3A_286, %dma_start3A_287] : memref<50x128xi32, #tpu.memory_space<vmem>> -> memref<1x128xi32, #tpu.memory_space<vmem>>
    %dma_start3A_289 = tpu.memref_squeeze %dma_start3A_288 : memref<1x128xi32, #tpu.memory_space<vmem>> -> memref<128xi32, #tpu.memory_space<vmem>>
    %dma_start3A_290 = arith.constant 0 : i32
    %dma_start3A_291 = arith.constant 0 : i32
    %dma_start3A_292 = tpu.memref_slice %arg3[%dma_start3A_290, %dma_start3A_291] : memref<100000x128xf32, #tpu.memory_space<hbm>> -> memref<100000x128xf32, #tpu.memory_space<hbm>>
    tpu.enqueue_indirect_dma source(%dma_start3A_292 : memref<100000x128xf32, #tpu.memory_space<hbm>>) target(%arg6 : memref<128x128xf32, #tpu.memory_space<vmem>>) offsets(%dma_start3A_289 : memref<128xi32, #tpu.memory_space<vmem>>) semaphore(%arg13 : memref<!tpu.dma_semaphore, #tpu.memory_space<semaphore_mem>>)
    %dma_wait3A_293 = arith.constant 44 : i32
    %dma_wait3A_294 = arith.constant 0 : i32
    %dma_wait3A_295 = tpu.memref_slice %arg5[%dma_wait3A_293, %dma_wait3A_294] : memref<50x128xi32, #tpu.memory_space<vmem>> -> memref<1x128xi32, #tpu.memory_space<vmem>>
    %dma_wait3A_296 = tpu.memref_squeeze %dma_wait3A_295 : memref<1x128xi32, #tpu.memory_space<vmem>> -> memref<128xi32, #tpu.memory_space<vmem>>
    %dma_wait3A_297 = arith.constant 0 : i32
    %dma_wait3A_298 = arith.constant 0 : i32
    %dma_wait3A_299 = tpu.memref_slice %arg3[%dma_wait3A_297, %dma_wait3A_298] : memref<100000x128xf32, #tpu.memory_space<hbm>> -> memref<100000x128xf32, #tpu.memory_space<hbm>>
    tpu.wait_indirect_dma semaphore(%arg15 : memref<!tpu.dma_semaphore, #tpu.memory_space<semaphore_mem>>) src(%dma_wait3A_299 : memref<100000x128xf32, #tpu.memory_space<hbm>>) dst(%arg8 : memref<128x128xf32, #tpu.memory_space<vmem>>)
    %dma_start3A_300 = arith.constant 44 : i32
    %dma_start3A_301 = arith.constant 0 : i32
    %dma_start3A_302 = tpu.memref_slice %arg4[%dma_start3A_300, %mul3A_2, %dma_start3A_301] : memref<50x4096x128xf32, #tpu.memory_space<hbm>> -> memref<1x128x128xf32, #tpu.memory_space<hbm>>
    %dma_start3A_303 = tpu.memref_squeeze %dma_start3A_302 : memref<1x128x128xf32, #tpu.memory_space<hbm>> -> memref<128x128xf32, #tpu.memory_space<hbm>>
    %dma_start3A_304 = arith.constant 0 : i32
    %dma_start3A_305 = tpu.memref_slice %arg4[%dma_start3A_300, %mul3A_2, %dma_start3A_304] : memref<50x4096x128xf32, #tpu.memory_space<hbm>> -> memref<1x128x128xf32, #tpu.memory_space<hbm>>
    %dma_start3A_306 = tpu.memref_squeeze %dma_start3A_305 : memref<1x128x128xf32, #tpu.memory_space<hbm>> -> memref<128x128xf32, #tpu.memory_space<hbm>>
    tpu.enqueue_dma source(%arg8 : memref<128x128xf32, #tpu.memory_space<vmem>>) target(%dma_start3A_306 : memref<128x128xf32, #tpu.memory_space<hbm>>) target_semaphore(%arg22 : memref<!tpu.dma_semaphore, #tpu.memory_space<semaphore_mem>>)
    %dma_wait3A_307 = arith.constant 43 : i32
    %dma_wait3A_308 = arith.constant 0 : i32
    %dma_wait3A_309 = tpu.memref_slice %arg4[%dma_wait3A_307, %mul3A_2, %dma_wait3A_308] : memref<50x4096x128xf32, #tpu.memory_space<hbm>> -> memref<1x128x128xf32, #tpu.memory_space<hbm>>
    %dma_wait3A_310 = tpu.memref_squeeze %dma_wait3A_309 : memref<1x128x128xf32, #tpu.memory_space<hbm>> -> memref<128x128xf32, #tpu.memory_space<hbm>>
    %dma_wait3A_311 = arith.constant 0 : i32
    %dma_wait3A_312 = tpu.memref_slice %arg4[%dma_wait3A_307, %mul3A_2, %dma_wait3A_311] : memref<50x4096x128xf32, #tpu.memory_space<hbm>> -> memref<1x128x128xf32, #tpu.memory_space<hbm>>
    %dma_wait3A_313 = tpu.memref_squeeze %dma_wait3A_312 : memref<1x128x128xf32, #tpu.memory_space<hbm>> -> memref<128x128xf32, #tpu.memory_space<hbm>>
    tpu.wait_dma2 semaphore(%arg21 : memref<!tpu.dma_semaphore, #tpu.memory_space<semaphore_mem>>) src(%arg7 : memref<128x128xf32, #tpu.memory_space<vmem>>) dst(%dma_wait3A_313 : memref<128x128xf32, #tpu.memory_space<hbm>>)
    %dma_wait3A_314 = arith.constant 45 : i32
    %dma_wait3A_315 = arith.constant 0 : i32
    %dma_wait3A_316 = tpu.memref_slice %arg5[%dma_wait3A_314, %dma_wait3A_315] : memref<50x128xi32, #tpu.memory_space<vmem>> -> memref<1x128xi32, #tpu.memory_space<vmem>>
    %dma_wait3A_317 = tpu.memref_squeeze %dma_wait3A_316 : memref<1x128xi32, #tpu.memory_space<vmem>> -> memref<128xi32, #tpu.memory_space<vmem>>
    %dma_wait3A_318 = arith.constant 0 : i32
    %dma_wait3A_319 = arith.constant 0 : i32
    %dma_wait3A_320 = tpu.memref_slice %arg3[%dma_wait3A_318, %dma_wait3A_319] : memref<100000x128xf32, #tpu.memory_space<hbm>> -> memref<100000x128xf32, #tpu.memory_space<hbm>>
    tpu.wait_indirect_dma semaphore(%arg16 : memref<!tpu.dma_semaphore, #tpu.memory_space<semaphore_mem>>) src(%dma_wait3A_320 : memref<100000x128xf32, #tpu.memory_space<hbm>>) dst(%arg9 : memref<128x128xf32, #tpu.memory_space<vmem>>)
    %dma_start3A_321 = arith.constant 45 : i32
    %dma_start3A_322 = arith.constant 0 : i32
    %dma_start3A_323 = tpu.memref_slice %arg4[%dma_start3A_321, %mul3A_2, %dma_start3A_322] : memref<50x4096x128xf32, #tpu.memory_space<hbm>> -> memref<1x128x128xf32, #tpu.memory_space<hbm>>
    %dma_start3A_324 = tpu.memref_squeeze %dma_start3A_323 : memref<1x128x128xf32, #tpu.memory_space<hbm>> -> memref<128x128xf32, #tpu.memory_space<hbm>>
    %dma_start3A_325 = arith.constant 0 : i32
    %dma_start3A_326 = tpu.memref_slice %arg4[%dma_start3A_321, %mul3A_2, %dma_start3A_325] : memref<50x4096x128xf32, #tpu.memory_space<hbm>> -> memref<1x128x128xf32, #tpu.memory_space<hbm>>
    %dma_start3A_327 = tpu.memref_squeeze %dma_start3A_326 : memref<1x128x128xf32, #tpu.memory_space<hbm>> -> memref<128x128xf32, #tpu.memory_space<hbm>>
    tpu.enqueue_dma source(%arg9 : memref<128x128xf32, #tpu.memory_space<vmem>>) target(%dma_start3A_327 : memref<128x128xf32, #tpu.memory_space<hbm>>) target_semaphore(%arg23 : memref<!tpu.dma_semaphore, #tpu.memory_space<semaphore_mem>>)
    %dma_wait3A_328 = arith.constant 44 : i32
    %dma_wait3A_329 = arith.constant 0 : i32
    %dma_wait3A_330 = tpu.memref_slice %arg4[%dma_wait3A_328, %mul3A_2, %dma_wait3A_329] : memref<50x4096x128xf32, #tpu.memory_space<hbm>> -> memref<1x128x128xf32, #tpu.memory_space<hbm>>
    %dma_wait3A_331 = tpu.memref_squeeze %dma_wait3A_330 : memref<1x128x128xf32, #tpu.memory_space<hbm>> -> memref<128x128xf32, #tpu.memory_space<hbm>>
    %dma_wait3A_332 = arith.constant 0 : i32
    %dma_wait3A_333 = tpu.memref_slice %arg4[%dma_wait3A_328, %mul3A_2, %dma_wait3A_332] : memref<50x4096x128xf32, #tpu.memory_space<hbm>> -> memref<1x128x128xf32, #tpu.memory_space<hbm>>
    %dma_wait3A_334 = tpu.memref_squeeze %dma_wait3A_333 : memref<1x128x128xf32, #tpu.memory_space<hbm>> -> memref<128x128xf32, #tpu.memory_space<hbm>>
    tpu.wait_dma2 semaphore(%arg22 : memref<!tpu.dma_semaphore, #tpu.memory_space<semaphore_mem>>) src(%arg8 : memref<128x128xf32, #tpu.memory_space<vmem>>) dst(%dma_wait3A_334 : memref<128x128xf32, #tpu.memory_space<hbm>>)
    %dma_wait3A_335 = arith.constant 46 : i32
    %dma_wait3A_336 = arith.constant 0 : i32
    %dma_wait3A_337 = tpu.memref_slice %arg5[%dma_wait3A_335, %dma_wait3A_336] : memref<50x128xi32, #tpu.memory_space<vmem>> -> memref<1x128xi32, #tpu.memory_space<vmem>>
    %dma_wait3A_338 = tpu.memref_squeeze %dma_wait3A_337 : memref<1x128xi32, #tpu.memory_space<vmem>> -> memref<128xi32, #tpu.memory_space<vmem>>
    %dma_wait3A_339 = arith.constant 0 : i32
    %dma_wait3A_340 = arith.constant 0 : i32
    %dma_wait3A_341 = tpu.memref_slice %arg3[%dma_wait3A_339, %dma_wait3A_340] : memref<100000x128xf32, #tpu.memory_space<hbm>> -> memref<100000x128xf32, #tpu.memory_space<hbm>>
    tpu.wait_indirect_dma semaphore(%arg17 : memref<!tpu.dma_semaphore, #tpu.memory_space<semaphore_mem>>) src(%dma_wait3A_341 : memref<100000x128xf32, #tpu.memory_space<hbm>>) dst(%arg10 : memref<128x128xf32, #tpu.memory_space<vmem>>)
    %dma_start3A_342 = arith.constant 46 : i32
    %dma_start3A_343 = arith.constant 0 : i32
    %dma_start3A_344 = tpu.memref_slice %arg4[%dma_start3A_342, %mul3A_2, %dma_start3A_343] : memref<50x4096x128xf32, #tpu.memory_space<hbm>> -> memref<1x128x128xf32, #tpu.memory_space<hbm>>
    %dma_start3A_345 = tpu.memref_squeeze %dma_start3A_344 : memref<1x128x128xf32, #tpu.memory_space<hbm>> -> memref<128x128xf32, #tpu.memory_space<hbm>>
    %dma_start3A_346 = arith.constant 0 : i32
    %dma_start3A_347 = tpu.memref_slice %arg4[%dma_start3A_342, %mul3A_2, %dma_start3A_346] : memref<50x4096x128xf32, #tpu.memory_space<hbm>> -> memref<1x128x128xf32, #tpu.memory_space<hbm>>
    %dma_start3A_348 = tpu.memref_squeeze %dma_start3A_347 : memref<1x128x128xf32, #tpu.memory_space<hbm>> -> memref<128x128xf32, #tpu.memory_space<hbm>>
    tpu.enqueue_dma source(%arg10 : memref<128x128xf32, #tpu.memory_space<vmem>>) target(%dma_start3A_348 : memref<128x128xf32, #tpu.memory_space<hbm>>) target_semaphore(%arg24 : memref<!tpu.dma_semaphore, #tpu.memory_space<semaphore_mem>>)
    %dma_wait3A_349 = arith.constant 45 : i32
    %dma_wait3A_350 = arith.constant 0 : i32
    %dma_wait3A_351 = tpu.memref_slice %arg4[%dma_wait3A_349, %mul3A_2, %dma_wait3A_350] : memref<50x4096x128xf32, #tpu.memory_space<hbm>> -> memref<1x128x128xf32, #tpu.memory_space<hbm>>
    %dma_wait3A_352 = tpu.memref_squeeze %dma_wait3A_351 : memref<1x128x128xf32, #tpu.memory_space<hbm>> -> memref<128x128xf32, #tpu.memory_space<hbm>>
    %dma_wait3A_353 = arith.constant 0 : i32
    %dma_wait3A_354 = tpu.memref_slice %arg4[%dma_wait3A_349, %mul3A_2, %dma_wait3A_353] : memref<50x4096x128xf32, #tpu.memory_space<hbm>> -> memref<1x128x128xf32, #tpu.memory_space<hbm>>
    %dma_wait3A_355 = tpu.memref_squeeze %dma_wait3A_354 : memref<1x128x128xf32, #tpu.memory_space<hbm>> -> memref<128x128xf32, #tpu.memory_space<hbm>>
    tpu.wait_dma2 semaphore(%arg23 : memref<!tpu.dma_semaphore, #tpu.memory_space<semaphore_mem>>) src(%arg9 : memref<128x128xf32, #tpu.memory_space<vmem>>) dst(%dma_wait3A_355 : memref<128x128xf32, #tpu.memory_space<hbm>>)
    %dma_wait3A_356 = arith.constant 47 : i32
    %dma_wait3A_357 = arith.constant 0 : i32
    %dma_wait3A_358 = tpu.memref_slice %arg5[%dma_wait3A_356, %dma_wait3A_357] : memref<50x128xi32, #tpu.memory_space<vmem>> -> memref<1x128xi32, #tpu.memory_space<vmem>>
    %dma_wait3A_359 = tpu.memref_squeeze %dma_wait3A_358 : memref<1x128xi32, #tpu.memory_space<vmem>> -> memref<128xi32, #tpu.memory_space<vmem>>
    %dma_wait3A_360 = arith.constant 0 : i32
    %dma_wait3A_361 = arith.constant 0 : i32
    %dma_wait3A_362 = tpu.memref_slice %arg3[%dma_wait3A_360, %dma_wait3A_361] : memref<100000x128xf32, #tpu.memory_space<hbm>> -> memref<100000x128xf32, #tpu.memory_space<hbm>>
    tpu.wait_indirect_dma semaphore(%arg18 : memref<!tpu.dma_semaphore, #tpu.memory_space<semaphore_mem>>) src(%dma_wait3A_362 : memref<100000x128xf32, #tpu.memory_space<hbm>>) dst(%arg11 : memref<128x128xf32, #tpu.memory_space<vmem>>)
    %dma_start3A_363 = arith.constant 47 : i32
    %dma_start3A_364 = arith.constant 0 : i32
    %dma_start3A_365 = tpu.memref_slice %arg4[%dma_start3A_363, %mul3A_2, %dma_start3A_364] : memref<50x4096x128xf32, #tpu.memory_space<hbm>> -> memref<1x128x128xf32, #tpu.memory_space<hbm>>
    %dma_start3A_366 = tpu.memref_squeeze %dma_start3A_365 : memref<1x128x128xf32, #tpu.memory_space<hbm>> -> memref<128x128xf32, #tpu.memory_space<hbm>>
    %dma_start3A_367 = arith.constant 0 : i32
    %dma_start3A_368 = tpu.memref_slice %arg4[%dma_start3A_363, %mul3A_2, %dma_start3A_367] : memref<50x4096x128xf32, #tpu.memory_space<hbm>> -> memref<1x128x128xf32, #tpu.memory_space<hbm>>
    %dma_start3A_369 = tpu.memref_squeeze %dma_start3A_368 : memref<1x128x128xf32, #tpu.memory_space<hbm>> -> memref<128x128xf32, #tpu.memory_space<hbm>>
    tpu.enqueue_dma source(%arg11 : memref<128x128xf32, #tpu.memory_space<vmem>>) target(%dma_start3A_369 : memref<128x128xf32, #tpu.memory_space<hbm>>) target_semaphore(%arg25 : memref<!tpu.dma_semaphore, #tpu.memory_space<semaphore_mem>>)
    %dma_wait3A_370 = arith.constant 46 : i32
    %dma_wait3A_371 = arith.constant 0 : i32
    %dma_wait3A_372 = tpu.memref_slice %arg4[%dma_wait3A_370, %mul3A_2, %dma_wait3A_371] : memref<50x4096x128xf32, #tpu.memory_space<hbm>> -> memref<1x128x128xf32, #tpu.memory_space<hbm>>
    %dma_wait3A_373 = tpu.memref_squeeze %dma_wait3A_372 : memref<1x128x128xf32, #tpu.memory_space<hbm>> -> memref<128x128xf32, #tpu.memory_space<hbm>>
    %dma_wait3A_374 = arith.constant 0 : i32
    %dma_wait3A_375 = tpu.memref_slice %arg4[%dma_wait3A_370, %mul3A_2, %dma_wait3A_374] : memref<50x4096x128xf32, #tpu.memory_space<hbm>> -> memref<1x128x128xf32, #tpu.memory_space<hbm>>
    %dma_wait3A_376 = tpu.memref_squeeze %dma_wait3A_375 : memref<1x128x128xf32, #tpu.memory_space<hbm>> -> memref<128x128xf32, #tpu.memory_space<hbm>>
    tpu.wait_dma2 semaphore(%arg24 : memref<!tpu.dma_semaphore, #tpu.memory_space<semaphore_mem>>) src(%arg10 : memref<128x128xf32, #tpu.memory_space<vmem>>) dst(%dma_wait3A_376 : memref<128x128xf32, #tpu.memory_space<hbm>>)
    %dma_wait3A_377 = arith.constant 48 : i32
    %dma_wait3A_378 = arith.constant 0 : i32
    %dma_wait3A_379 = tpu.memref_slice %arg5[%dma_wait3A_377, %dma_wait3A_378] : memref<50x128xi32, #tpu.memory_space<vmem>> -> memref<1x128xi32, #tpu.memory_space<vmem>>
    %dma_wait3A_380 = tpu.memref_squeeze %dma_wait3A_379 : memref<1x128xi32, #tpu.memory_space<vmem>> -> memref<128xi32, #tpu.memory_space<vmem>>
    %dma_wait3A_381 = arith.constant 0 : i32
    %dma_wait3A_382 = arith.constant 0 : i32
    %dma_wait3A_383 = tpu.memref_slice %arg3[%dma_wait3A_381, %dma_wait3A_382] : memref<100000x128xf32, #tpu.memory_space<hbm>> -> memref<100000x128xf32, #tpu.memory_space<hbm>>
    tpu.wait_indirect_dma semaphore(%arg19 : memref<!tpu.dma_semaphore, #tpu.memory_space<semaphore_mem>>) src(%dma_wait3A_383 : memref<100000x128xf32, #tpu.memory_space<hbm>>) dst(%arg12 : memref<128x128xf32, #tpu.memory_space<vmem>>)
    %dma_start3A_384 = arith.constant 48 : i32
    %dma_start3A_385 = arith.constant 0 : i32
    %dma_start3A_386 = tpu.memref_slice %arg4[%dma_start3A_384, %mul3A_2, %dma_start3A_385] : memref<50x4096x128xf32, #tpu.memory_space<hbm>> -> memref<1x128x128xf32, #tpu.memory_space<hbm>>
    %dma_start3A_387 = tpu.memref_squeeze %dma_start3A_386 : memref<1x128x128xf32, #tpu.memory_space<hbm>> -> memref<128x128xf32, #tpu.memory_space<hbm>>
    %dma_start3A_388 = arith.constant 0 : i32
    %dma_start3A_389 = tpu.memref_slice %arg4[%dma_start3A_384, %mul3A_2, %dma_start3A_388] : memref<50x4096x128xf32, #tpu.memory_space<hbm>> -> memref<1x128x128xf32, #tpu.memory_space<hbm>>
    %dma_start3A_390 = tpu.memref_squeeze %dma_start3A_389 : memref<1x128x128xf32, #tpu.memory_space<hbm>> -> memref<128x128xf32, #tpu.memory_space<hbm>>
    tpu.enqueue_dma source(%arg12 : memref<128x128xf32, #tpu.memory_space<vmem>>) target(%dma_start3A_390 : memref<128x128xf32, #tpu.memory_space<hbm>>) target_semaphore(%arg26 : memref<!tpu.dma_semaphore, #tpu.memory_space<semaphore_mem>>)
    %dma_wait3A_391 = arith.constant 47 : i32
    %dma_wait3A_392 = arith.constant 0 : i32
    %dma_wait3A_393 = tpu.memref_slice %arg4[%dma_wait3A_391, %mul3A_2, %dma_wait3A_392] : memref<50x4096x128xf32, #tpu.memory_space<hbm>> -> memref<1x128x128xf32, #tpu.memory_space<hbm>>
    %dma_wait3A_394 = tpu.memref_squeeze %dma_wait3A_393 : memref<1x128x128xf32, #tpu.memory_space<hbm>> -> memref<128x128xf32, #tpu.memory_space<hbm>>
    %dma_wait3A_395 = arith.constant 0 : i32
    %dma_wait3A_396 = tpu.memref_slice %arg4[%dma_wait3A_391, %mul3A_2, %dma_wait3A_395] : memref<50x4096x128xf32, #tpu.memory_space<hbm>> -> memref<1x128x128xf32, #tpu.memory_space<hbm>>
    %dma_wait3A_397 = tpu.memref_squeeze %dma_wait3A_396 : memref<1x128x128xf32, #tpu.memory_space<hbm>> -> memref<128x128xf32, #tpu.memory_space<hbm>>
    tpu.wait_dma2 semaphore(%arg25 : memref<!tpu.dma_semaphore, #tpu.memory_space<semaphore_mem>>) src(%arg11 : memref<128x128xf32, #tpu.memory_space<vmem>>) dst(%dma_wait3A_397 : memref<128x128xf32, #tpu.memory_space<hbm>>)
    %dma_wait3A_398 = arith.constant 49 : i32
    %dma_wait3A_399 = arith.constant 0 : i32
    %dma_wait3A_400 = tpu.memref_slice %arg5[%dma_wait3A_398, %dma_wait3A_399] : memref<50x128xi32, #tpu.memory_space<vmem>> -> memref<1x128xi32, #tpu.memory_space<vmem>>
    %dma_wait3A_401 = tpu.memref_squeeze %dma_wait3A_400 : memref<1x128xi32, #tpu.memory_space<vmem>> -> memref<128xi32, #tpu.memory_space<vmem>>
    %dma_wait3A_402 = arith.constant 0 : i32
    %dma_wait3A_403 = arith.constant 0 : i32
    %dma_wait3A_404 = tpu.memref_slice %arg3[%dma_wait3A_402, %dma_wait3A_403] : memref<100000x128xf32, #tpu.memory_space<hbm>> -> memref<100000x128xf32, #tpu.memory_space<hbm>>
    tpu.wait_indirect_dma semaphore(%arg13 : memref<!tpu.dma_semaphore, #tpu.memory_space<semaphore_mem>>) src(%dma_wait3A_404 : memref<100000x128xf32, #tpu.memory_space<hbm>>) dst(%arg6 : memref<128x128xf32, #tpu.memory_space<vmem>>)
    %dma_start3A_405 = arith.constant 49 : i32
    %dma_start3A_406 = arith.constant 0 : i32
    %dma_start3A_407 = tpu.memref_slice %arg4[%dma_start3A_405, %mul3A_2, %dma_start3A_406] : memref<50x4096x128xf32, #tpu.memory_space<hbm>> -> memref<1x128x128xf32, #tpu.memory_space<hbm>>
    %dma_start3A_408 = tpu.memref_squeeze %dma_start3A_407 : memref<1x128x128xf32, #tpu.memory_space<hbm>> -> memref<128x128xf32, #tpu.memory_space<hbm>>
    %dma_start3A_409 = arith.constant 0 : i32
    %dma_start3A_410 = tpu.memref_slice %arg4[%dma_start3A_405, %mul3A_2, %dma_start3A_409] : memref<50x4096x128xf32, #tpu.memory_space<hbm>> -> memref<1x128x128xf32, #tpu.memory_space<hbm>>
    %dma_start3A_411 = tpu.memref_squeeze %dma_start3A_410 : memref<1x128x128xf32, #tpu.memory_space<hbm>> -> memref<128x128xf32, #tpu.memory_space<hbm>>
    tpu.enqueue_dma source(%arg6 : memref<128x128xf32, #tpu.memory_space<vmem>>) target(%dma_start3A_411 : memref<128x128xf32, #tpu.memory_space<hbm>>) target_semaphore(%arg20 : memref<!tpu.dma_semaphore, #tpu.memory_space<semaphore_mem>>)
    %dma_wait3A_412 = arith.constant 48 : i32
    %dma_wait3A_413 = arith.constant 0 : i32
    %dma_wait3A_414 = tpu.memref_slice %arg4[%dma_wait3A_412, %mul3A_2, %dma_wait3A_413] : memref<50x4096x128xf32, #tpu.memory_space<hbm>> -> memref<1x128x128xf32, #tpu.memory_space<hbm>>
    %dma_wait3A_415 = tpu.memref_squeeze %dma_wait3A_414 : memref<1x128x128xf32, #tpu.memory_space<hbm>> -> memref<128x128xf32, #tpu.memory_space<hbm>>
    %dma_wait3A_416 = arith.constant 0 : i32
    %dma_wait3A_417 = tpu.memref_slice %arg4[%dma_wait3A_412, %mul3A_2, %dma_wait3A_416] : memref<50x4096x128xf32, #tpu.memory_space<hbm>> -> memref<1x128x128xf32, #tpu.memory_space<hbm>>
    %dma_wait3A_418 = tpu.memref_squeeze %dma_wait3A_417 : memref<1x128x128xf32, #tpu.memory_space<hbm>> -> memref<128x128xf32, #tpu.memory_space<hbm>>
    tpu.wait_dma2 semaphore(%arg26 : memref<!tpu.dma_semaphore, #tpu.memory_space<semaphore_mem>>) src(%arg12 : memref<128x128xf32, #tpu.memory_space<vmem>>) dst(%dma_wait3A_418 : memref<128x128xf32, #tpu.memory_space<hbm>>)
    %dma_wait3A_419 = arith.constant 49 : i32
    %dma_wait3A_420 = arith.constant 0 : i32
    %dma_wait3A_421 = tpu.memref_slice %arg4[%dma_wait3A_419, %mul3A_2, %dma_wait3A_420] : memref<50x4096x128xf32, #tpu.memory_space<hbm>> -> memref<1x128x128xf32, #tpu.memory_space<hbm>>
    %dma_wait3A_422 = tpu.memref_squeeze %dma_wait3A_421 : memref<1x128x128xf32, #tpu.memory_space<hbm>> -> memref<128x128xf32, #tpu.memory_space<hbm>>
    %dma_wait3A_423 = arith.constant 0 : i32
    %dma_wait3A_424 = tpu.memref_slice %arg4[%dma_wait3A_419, %mul3A_2, %dma_wait3A_423] : memref<50x4096x128xf32, #tpu.memory_space<hbm>> -> memref<1x128x128xf32, #tpu.memory_space<hbm>>
    %dma_wait3A_425 = tpu.memref_squeeze %dma_wait3A_424 : memref<1x128x128xf32, #tpu.memory_space<hbm>> -> memref<128x128xf32, #tpu.memory_space<hbm>>
    tpu.wait_dma2 semaphore(%arg20 : memref<!tpu.dma_semaphore, #tpu.memory_space<semaphore_mem>>) src(%arg6 : memref<128x128xf32, #tpu.memory_space<vmem>>) dst(%dma_wait3A_425 : memref<128x128xf32, #tpu.memory_space<hbm>>)
    return
  }
}

</mosaic_0001>

<sc_bundles>
// kernel: kernel.3.cloned.1.call-start
scs
__scs_entry_jumppad:
0x0: {  	(pc) =	sbr.rel $0x88, $3  }
0x1: {  	(tag) =	ssettag $0x0;
	lr =	simm.s32 $0x1  }
0x2: {  	[smem:$0x3F9F] =	sst lr;
	_ =	strace $0xD0000000  }
0x3: {  	_ = 	snop  }
0x4: {  	_ = 	snop  }
0x5: {  	_ = 	snop  }
0x6: {  	_ = 	snop  }
0x7: {  	_ = 	snop  }
__scs_overlays_trampoline_lowered:
0x8: {  	[smem:$0x3FAE] =	sst s0  }
0x9: {  	[smem:$0x3FAF] =	sst s1  }
0xa: {  	[smem:$0x3FB0] =	sst s2  }
0xb: {  	[smem:$0x3FB1] =	sst s3  }
0xc: {  	[smem:$0x3FB2] =	sst s4  }
0xd: {  	[smem:$0x3FB3] =	sst s5  }
0xe: {  	[smem:$0x3FB4] =	sst s6  }
0xf: {  	[smem:$0x3FB5] =	sst s7  }
0x10: {  	[smem:$0x3FB6] =	sst s8  }
0x11: {  	[smem:$0x3FB7] =	sst s9;
	s0 =	simm.s32 @!p0 $0x0  }
0x12: {  	s1 =	sld [smem:$0x3F9D];
	s0 =	simm.s32 @p0 $0x1  }
0x13: {  	[smem:$0x3FB8] =	sst s0;
	s0 =	simm.s32 @!p1 $0x0  }
0x14: {  	s2 =	sld [smem:$0x3F9C];
	s0 =	simm.s32 @p1 $0x1  }
0x15: {  	[smem:$0x3FB9] =	sst s0;
	s0 =	simm.s32 @!p2 $0x0  }
0x16: {  	s3 =	sld [smem:$0x3FDB];
	s0 =	simm.s32 @p2 $0x1  }
0x17: {  	s4 =	simm.s32 $0x1BF5;
	[smem:$0x3FBB] =	sst s0  }
0x18: {  	s0 =	sld [smem:$0x3F9E];
	_ =	swait.ge [sflag:s4], $0x0  }
0x19: {  	s7 =	sld [smem:$0x3F9F]  }
0x1a: {  	s8 =	sadd.s32 $0xFFFFE003, lr  }
0x1b: {  	s9 =	sadd.s32 $0xFFFFFEF7, lr;
	s5 =	simm.s32 $0xFFFFFFFF;
	p2 =	slt.u32 s8, $0xFFFFF086  }
0x1c: {  	p1 =	slt.u32 s9, $0xF7A;
	s5 =	simm.s32 @!p2 $0x0  }
0x1d: {  	s5 =	simm.s32 @p1 $0x1;
	p0 =	seq.s32 s7, s2  }
0x1e: {  	s7 =	smul.u32 @!p0 $0xF7A, s2;
	p2 =	seq.s32 @!p0 s5, $0x0  }
0x1f: {  	s9 =	smul.u32 $0xF7A, s1;
	s8 =	simm.s32 @!p0 $0x1BF5;
	p2 =	por !p2, p0  }
0x20: {  	[sflag:s8] =	ssyncset.s32 @!p0 $0xFFFFF086;
	s6 =	sadd.s32 @!p0 s3, s7;
	s7 =	simm.s32 @!p0 $0x108  }
0x21: {  	s3 =	sadd.s32 s3, s9;
	s6 =	sadd.s32 @!p0 $0x88, s6;
	s7 =	simm.s32 @p2 $0x1082  }
0x22: {  	[simem:s7], [sflag:s8] =	dma.local @!p0 [hbm:s6], $0xF7A  }
0x23: {  	s9 =	sor.u32 $0xD0000000, s2;
	s6 =	simm.s32 $0x108;
	_ =	swait.ge @!p0 [sflag:s8], $0x0  }
0x24: {  	s3 =	sadd.s32 $0x88, s3;
	s6 =	simm.s32 @!p1 $0x1082;
	[sflag:s4] =	ssyncset.s32 $0xFFFFF086  }
0x25: {  	[simem:s6], [sflag:s4] =	dma.local [hbm:s3], $0xF7A  }
0x26: {  	[smem:$0x3F9F] =	sst s1;
	(tag) =	ssettag s2;
	_ =	strace s9  }
0x27: {  	s1 =	sld [smem:$0x3FAF]  }
0x28: {  	s2 =	sld [smem:$0x3FB0]  }
0x29: {  	s4 =	sld [smem:$0x3FB2]  }
0x2a: {  	p0 =	seq.s32 s5, $0x0;
	s5 =	sld [smem:$0x3FB3]  }
0x2b: {  	s6 =	sld [smem:$0x3FB4]  }
0x2c: {  	s7 =	sld [smem:$0x3FB5]  }
0x2d: {  	s3 =	simm.s32 $0x108;
	s8 =	sld [smem:$0x3FB6]  }
0x2e: {  	s3 =	simm.s32 @!p0 $0x1082;
	s9 =	sld [smem:$0x3FB7]  }
0x2f: {  	lr =	sadd.s32 s0, s3;
	s0 =	sld [smem:$0x3FAE]  }
0x30: {  	s3 =	sld [smem:$0x3FB1]  }
0x31: {  	[smem:$0x3FBA] =	sst s10  }
0x32: {  	s10 =	sld [smem:$0x3FB8];
	_ =	sdelay $0x3  }
0x33: {  	p0 =	seq.s32 s10, $0x1;
	s10 =	sld [smem:$0x3FBA];
	_ =	sdelay $0x3  }
0x34: {  	[smem:$0x3FBA] =	sst s10  }
0x35: {  	s10 =	sld [smem:$0x3FB9];
	_ =	sdelay $0x3  }
0x36: {  	p1 =	seq.s32 s10, $0x1;
	s10 =	sld [smem:$0x3FBA];
	_ =	sdelay $0x3  }
0x37: {  	[smem:$0x3FBA] =	sst s10  }
0x38: {  	s10 =	sld [smem:$0x3FBB]  }
0x39: {  	_ = 	snop;
	(pc) =	sbr.ind lr, $3  }
0x3a: {  	_ = 	snop  }
0x3b: {  	_ = 	snop  }
0x3c: {  	p2 =	seq.s32 s10, $0x1;
	s10 =	sld [smem:$0x3FBA]  }
0x3d: {  	_ =	shalt  }
0x3e: {  	_ =	shalt  }
0x3f: {  	_ =	shalt  }
0x40: {  	_ =	shalt  }
0x41: {  	_ =	shalt  }
0x42: {  	_ =	shalt  }
0x43: {  	_ =	shalt  }
0x44: {  	_ =	shalt  }
0x45: {  	_ =	shalt  }
0x46: {  	_ =	shalt  }
0x47: {  	_ =	shalt  }
0x48: {  	_ =	shalt  }
0x49: {  	_ =	shalt  }
0x4a: {  	_ =	shalt  }
0x4b: {  	_ =	shalt  }
0x4c: {  	_ =	shalt  }
0x4d: {  	_ =	shalt  }
0x4e: {  	_ =	shalt  }
0x4f: {  	_ =	shalt  }
0x50: {  	_ =	shalt  }
0x51: {  	_ =	shalt  }
0x52: {  	_ =	shalt  }
0x53: {  	_ =	shalt  }
0x54: {  	_ =	shalt  }
0x55: {  	_ =	shalt  }
0x56: {  	_ =	shalt  }
0x57: {  	_ =	shalt  }
0x58: {  	_ =	shalt  }
0x59: {  	_ =	shalt  }
0x5a: {  	_ =	shalt  }
0x5b: {  	_ =	shalt  }
0x5c: {  	_ =	shalt  }
0x5d: {  	_ =	shalt  }
0x5e: {  	_ =	shalt  }
0x5f: {  	_ =	shalt  }
0x60: {  	_ =	shalt  }
0x61: {  	_ =	shalt  }
0x62: {  	_ =	shalt  }
0x63: {  	_ =	shalt  }
0x64: {  	_ =	shalt  }
0x65: {  	_ =	shalt  }
0x66: {  	_ =	shalt  }
0x67: {  	_ =	shalt  }
0x68: {  	_ =	shalt  }
0x69: {  	_ =	shalt  }
0x6a: {  	_ =	shalt  }
0x6b: {  	_ =	shalt  }
0x6c: {  	_ =	shalt  }
0x6d: {  	_ =	shalt  }
0x6e: {  	_ =	shalt  }
0x6f: {  	_ =	shalt  }
0x70: {  	_ =	shalt  }
0x71: {  	_ =	shalt  }
0x72: {  	_ =	shalt  }
0x73: {  	_ =	shalt  }
0x74: {  	_ =	shalt  }
0x75: {  	_ =	shalt  }
0x76: {  	_ =	shalt  }
0x77: {  	_ =	shalt  }
0x78: {  	_ =	shalt  }
0x79: {  	_ =	shalt  }
0x7a: {  	_ =	shalt  }
0x7b: {  	_ =	shalt  }
0x7c: {  	_ =	shalt  }
0x7d: {  	_ =	shalt  }
0x7e: {  	_ =	shalt  }
0x7f: {  	_ =	shalt  }
0x80: {  	_ =	shalt  }
0x81: {  	_ =	shalt  }
0x82: {  	_ =	shalt  }
0x83: {  	_ =	shalt  }
0x84: {  	_ =	shalt  }
0x85: {  	_ =	shalt  }
0x86: {  	_ =	shalt  }
0x87: {  	_ =	shalt  }
.Lfunc_end0:
.L_simem_size_0:
called_computation_lowered:
.L_overlay_start_0:
0x88: {  	s2 =	sld [smem:$0x3FD9]  }
0x89: {  	s3 =	sld [smem:$0x3FFE];
	_ =	sdelay $0x1  }
0x8a: {  	s1 =	srdreg.scid  }
0x8b: {  	s0 =	sand.u32 $0x1, s1  }
0x8c: {  	s18 =	sshll.u32 s0, $0xA;
	s2 =	sadd.s32 s3, s2  }
0x8d: {  	s2 =	sadd.s32 s2, s18  }
0x8e: {  	[smem:$0x3FC6] =	sst s2  }
0x8f: {  	_ = 	snop  }
0x90: {  	s2 =	sld [smem:$0x3FC9]  }
0x91: {  	s19 =	sld [smem:$0x3FC8]  }
0x92: {  	s4 =	sld [smem:$0x3FD0];
	(tm) =	ssettm $0x1  }
0x93: {  	s5 =	sld [smem:$0x3FFB];
	_ =	sdelay $0x3  }
0x94: {  	_ =	strace s5  }
0x95: {  	s5 =	sld [smem:$0x3FFC];
	_ =	sdelay $0x3  }
0x96: {  	_ =	strace s5  }
0x97: {  	s5 =	sld [smem:$0x3FFD];
	_ =	sdelay $0x3  }
0x98: {  	_ =	strace s5  }
0x99: {  	_ =	strace $0x8FFFFFFF  }
0x9a: {  	s20 =	sld [smem:$0x3FDB];
	_ =	sdelay $0x1  }
0x9b: {  	s6 =	simm.s32 $_scs_section_size  }
0x9c: {  	s7 =	simm.s32 $_size__tile_overlayer_lowered;
	s8 =	simm.s32 $_tile_overlayer_lowered  }
0x9d: {  	s23 =	simm.s32 $0x1BFF;
	s22 =	sshll.u32 s8, $0x1;
	s5 =	sadd.s32 s6, s20  }
0x9e: {  	s9 =	simm.s32 $0x0;
	s21 =	sshll.u32 s7, $0x1;
	s7 =	sadd.s32 s22, s5  }
0x9f: {  	[timem:s9], [sflag:s23] =	dma.local [hbm:s7], s21  }
0xa0: {  	_ =	swait.ge [sflag:s23], s21  }
0xa1: {  	s6 =	ssub.s32 $0x0, s21;
	[sflag:s23] =	ssyncset.done $0x0  }
0xa2: {  	[sflag:s23] =	ssyncadd.s32 s6;
	_ =	sdelay $0x1  }
0xa3: {  	s24 =	simm.s32 $0x1B8B  }
0xa4: {  	_ =	swait.ge [sflag:s24], $0x1  }
0xa5: {  	[sflag:s24] =	ssyncset.done $0x0  }
0xa6: {  	s25 =	simm.s32 $0x1B8E;
	[sflag:s24] =	ssyncadd.s32 $0xFFFFFFFF  }
0xa7: {  	s26 =	simm.s32 $execute0_lowered;
	[smem:$0x3FD2] =	sst s25  }
0xa8: {  	s6 =	sshll.u32 s26, $0x1;
	_ =	strace $0x80000046;
	[dreg:$0x1] =	wrdreg $0xFFFFFFFF  }
0xa9: {  	s28 =	simm.s32 $_size_execute0_lowered;
	s5 =	sadd.s32 s5, s6;
	[dreg:$0x0] =	wrdreg $0x0  }
0xaa: {  	s6 =	sshll.u32 s28, $0x1;
	[dreg:$0x2] =	wrdreg s5  }
0xab: {  	[dreg:$0x3] =	wrdreg s6  }
0xac: {  	[dreg:$0x4] =	wrdreg $0xC0  }
0xad: {  	_ =	task [dreg:s9], $0x5FFFF  }
0xae: {  	[dreg:$0x1] =	wrdreg $0xFFFFFFFF  }
0xaf: {  	[dreg:$0x0] =	wrdreg $0x60  }
0xb0: {  	[dreg:$0x2] =	wrdreg s2  }
0xb1: {  	[dreg:$0x3] =	wrdreg s19  }
0xb2: {  	[dreg:$0x4] =	wrdreg s4  }
0xb3: {  	[dreg:$0x5] =	wrdreg $0x9  }
0xb4: {  	_ =	task.clear_ibuf [dreg:s9], $0x6FFFF;
	_ =	strace $0x90000046  }
0xb5: {  	s29 =	simm.s32 $0x9;
	_ =	strace $0x80000048  }
0xb6: {  	_ =	swait.ge [sflag:s29], $0x1  }
0xb7: {  	[sflag:s29] =	ssyncadd.s32 $0xFFFFFFFF  }
0xb8: {  	_ =	strace $0x90000048  }
0xb9: {  	_ =	sfence  }
0xba: {  	s30 =	sld [smem:$0x0];
	_ =	sdelay $0x2  }
0xbb: {  	s31 =	sshll.u32 s1, $0xD;
	s1 =	sshrl.u32 s1, $0x2  }
0xbc: {  	s3 =	sand.u32 $0x4000, s31;
	s1 =	sadd.s32 s1, s30  }
0xbd: {  	s0 =	sor.u32 s3, s0;
	s1 =	sshll.u32 s1, $0x11  }
0xbe: {  	s0 =	sor.u32 s1, s0  }
0xbf: {  	s0 =	sadd.s32 $0x8F2B, s0  }
0xc0: {  	[sflag:s0] =	ssyncadd.remote.s32 $0x1  }
0xc1: {  	_ =	sfence.sel $0xFFFF  }
0xc2: {  	[dreg:$0x0] =	wrdreg $0xFFFFFFFF;
	(pc) =	sbr.abs _section_cstart, $3  }
0xc3: {  	[dreg:$0x1] =	wrdreg $0xFFFFFFFF  }
0xc4: {  	_ =	task.clear_ibuf [dreg:s9], $0x2FFFF;
	_ =	strace $0x9FFFFFFF  }
0xc5: {  	(tm) =	ssettm $0x7FFFFFFF  }
tec
execute0_lowered:
.L_overlay_start_1:
0x0: {  	(tag) =	ssettag $0x1  }
0x1: {  	s0 =	rddreg [dreg:$0x0]  }
0x2: {  	s1 =	rddreg [dreg:$0x1];
	s2 =	srdreg.scid  }
0x3: {  	s8 =	rddreg [dreg:$0x2];
	s7 =	stileid.u32;
	s2 =	sand.u32 $0x1, s2  }
0x4: {  	s4 =	simm.s32 $0x0;
	s3 =	sshll.u32 s7, $0x8;
	s5 =	sshll.u32 s2, $0x7  }
0x5: {  	[smem:$0x7FF] =	sst s4;
	s6 =	ssub.s32 $0x2, s2;
	s3 =	sor.u32 s5, s3  }
0x6: {  	_ =	strace $0x80000047;
	s15 =	sshrl.u32 s6, $0x1;
	s9 =	sadd.s32 s0, s3  }
0x7: {  	s17 =	ssub.s32 s6, s15;
	[dreg:$0x4] =	wrdreg s9;
	s18 =	sadd.s32 $0x6000, s9  }
0x8: {  	s16 =	sshll.u32 s3, $0x4;
	s10 =	smax.u32 s17, $0x1;
	[dreg:$0x5] =	wrdreg s18  }
0x9: {  	s6 =	sadd.s32 s8, s16;
	[dreg:$0x11] =	wrdreg s10  }
0xa: {  	s0 =	sadd.s32 $0x10000, s6;
	[dreg:$0x6] =	wrdreg s6  }
0xb: {  	s19 =	sadd.s32 $0x20000, s6;
	[dreg:$0x7] =	wrdreg s0  }
0xc: {  	s31 =	simm.s32 $0x4;
	s20 =	sadd.s32 $0x30000, s6;
	[dreg:$0x8] =	wrdreg s19  }
0xd: {  	s28 =	simm.s32 $0xB;
	s21 =	sadd.s32 $0x40000, s6;
	[dreg:$0x9] =	wrdreg s20  }
0xe: {  	s29 =	simm.s32 $0x6;
	s22 =	sadd.s32 $0x50000, s6;
	[dreg:$0xa] =	wrdreg s21  }
0xf: {  	s30 =	simm.s32 $0xC;
	s23 =	sadd.s32 $0x60000, s6;
	[dreg:$0xb] =	wrdreg s22  }
0x10: {  	s25 =	sshll.u32 s7, $0xF;
	s24 =	sadd.s32 $0x2A0000, s6;
	[dreg:$0xc] =	wrdreg s23  }
0x11: {  	s2 =	sshll.u32 s2, $0xE;
	s26 =	sadd.s32 $0x2B0000, s6;
	[dreg:$0xd] =	wrdreg s24  }
0x12: {  	s5 =	simm.s32 $0x0;
	s7 =	sadd.s32 $0x2C0000, s6;
	[dreg:$0xe] =	wrdreg s26  }
0x13: {  	s9 =	sadd.s32 $0x2D0000, s6;
	[dreg:$0xf] =	wrdreg s7;
	s0 =	sor.u32 s2, s25  }
0x14: {  	[dreg:$0x10] =	wrdreg s9;
	s23 =	sadd.s32 $0x2E0000, s6;
	s24 =	sadd.s32 $0x2F0000, s6  }
0x15: {  	s25 =	sadd.s32 $0x300000, s6;
	s26 =	sadd.s32 $0x310000, s6;
	s6 =	simm.s32 $0x80  }
0x16: {  	s7 =	simm.s32 $0x7;
	s11 =	sor.u32 $0x600000, s0;
	[dreg:$0x19] =	wrdreg s23  }
0x17: {  	s12 =	sor.u32 $0x580000, s0;
	s13 =	sor.u32 $0x500000, s0;
	[dreg:$0x1a] =	wrdreg s24  }
0x18: {  	s17 =	sor.u32 $0x480000, s0;
	s18 =	sor.u32 $0x400000, s0;
	[dreg:$0x1b] =	wrdreg s25  }
0x19: {  	s19 =	sor.u32 $0x680000, s0;
	s0 =	sor.u32 $0x380000, s0;
	[dreg:$0x1c] =	wrdreg s26  }
0x1a: {  	s26 =	simm.s32 $0x5;
	s2 =	sshrl.u32 s11, $0x3;
	s14 =	sshrl.u32 s12, $0x3  }
0x1b: {  	s15 =	sshrl.u32 s13, $0x3;
	[dreg:$0x17] =	wrdreg s0;
	s2 =	sadd.s32 s2, s8  }
0x1c: {  	s20 =	sshrl.u32 s18, $0x3;
	s16 =	sadd.s32 s15, s8;
	[dreg:$0x12] =	wrdreg s2  }
0x1d: {  	s21 =	sshrl.u32 s19, $0x3;
	s2 =	sadd.s32 s14, s8;
	[dreg:$0x14] =	wrdreg s16  }
0x1e: {  	s22 =	sadd.s32 s21, s8;
	[dreg:$0x13] =	wrdreg s2;
	s2 =	sshrl.u32 s17, $0x3  }
0x1f: {  	s11 =	simm.s32 $0x1800;
	[dreg:$0x18] =	wrdreg s22;
	s2 =	sadd.s32 s2, s8  }
0x20: {  	s0 =	simm.s32 $0xD;
	[dreg:$0x15] =	wrdreg s2;
	s2 =	sadd.s32 s20, s8  }
0x21: {  	s19 =	simm.s32 $0xE;
	[dreg:$0x16] =	wrdreg s2;
	s2 =	simm.s32 $0xA  }
.LBB2_1:
0x22: {  	[dreg:$0x1d] =	wrdreg s5  }
0x23: {  	s3 =	rddreg [dreg:$0x4];
	s9 =	simm.s32 $0x400;
	s10 =	simm.s32 $0x8000  }
0x24: {  	[tilespmem:s4], [sflag:$0xF] =	stream.strided.gather [hbm4b:s3+s9], $0x1800, s10, s9, $0x38;
	[tilespmem:$0x1DC00] =	vst v63  }
0x25: {  	s12 =	simm.s32 $0xF;
	s10 =	rddreg [dreg:$0x5]  }
0x26: {  	[tilespmem:s11], [sflag:$0xF] =	stream.linear.gather [hbm4b:s10+s4], $0x100, $0x38;
	[tilespmem:$0x1DC00] =	vst v63  }
0x27: {  	_ =	swait.ge [sflag:s12], $0x1900  }
0x28: {  	[sflag:s12] =	ssyncset.done $0x0  }
0x29: {  	s10 =	simm.s32 $0x1C00;
	[sflag:s12] =	ssyncadd.s32 $0xFFFFE700  }
0x2a: {  	[tilespmem:s10], [sflag:$0x1] =	stream.indirect.gather [hbm4b:s1+s6], $0x80, s4, s6, $0xb8;
	[tilespmem:$0x1DC00] =	vst v63  }
0x2b: {  	s11 =	simm.s32 $0x5C00  }
0x2c: {  	[tilespmem:s11], [sflag:$0x2] =	stream.indirect.gather [hbm4b:s1+s6], $0x80, s6, s6, $0xb8;
	[tilespmem:$0x1DC00] =	vst v63  }
0x2d: {  	s13 =	simm.s32 $0x100;
	s5 =	simm.s32 $0x9C00  }
0x2e: {  	[tilespmem:s5], [sflag:$0x3] =	stream.indirect.gather [hbm4b:s1+s6], $0x80, s13, s6, $0xb8;
	[tilespmem:$0x1DC00] =	vst v63  }
0x2f: {  	s14 =	simm.s32 $0x180;
	s13 =	simm.s32 $0xDC00  }
0x30: {  	[tilespmem:s13], [sflag:$0x4] =	stream.indirect.gather [hbm4b:s1+s6], $0x80, s14, s6, $0xb8;
	[tilespmem:$0x1DC00] =	vst v63  }
0x31: {  	s15 =	simm.s32 $0x200;
	s14 =	simm.s32 $0x11C00  }
0x32: {  	[tilespmem:s14], [sflag:$0x5] =	stream.indirect.gather [hbm4b:s1+s6], $0x80, s15, s6, $0xb8;
	[tilespmem:$0x1DC00] =	vst v63  }
0x33: {  	s16 =	simm.s32 $0x280;
	s12 =	simm.s32 $0x1;
	s15 =	simm.s32 $0x15C00  }
0x34: {  	[tilespmem:s15], [sflag:$0x6] =	stream.indirect.gather [hbm4b:s1+s6], $0x80, s16, s6, $0xb8;
	[tilespmem:$0x1DC00] =	vst v63  }
0x35: {  	_ =	swait.ge [sflag:s12], $0x4000  }
0x36: {  	[sflag:s12] =	ssyncset.done $0x0  }
0x37: {  	s17 =	rddreg [dreg:$0x6];
	[sflag:s12] =	ssyncadd.s32 $0xFFFFC000  }
0x38: {  	[hbm4b:s17+s4] =	stream.linear.scatter [tilespmem:s10], [sflag:$0x8], $0x4000, $0x38;
	[tilespmem:$0x1DC00] =	vst v63  }
0x39: {  	s18 =	simm.s32 $0x300;
	s16 =	simm.s32 $0x19C00;
	s17 =	simm.s32 $0x2  }
0x3a: {  	[tilespmem:s16], [sflag:$0x7] =	stream.indirect.gather [hbm4b:s1+s6], $0x80, s18, s6, $0xb8;
	[tilespmem:$0x1DC00] =	vst v63  }
0x3b: {  	_ =	swait.ge [sflag:s17], $0x4000  }
0x3c: {  	[sflag:s17] =	ssyncset.done $0x0  }
0x3d: {  	s18 =	simm.s32 $0x8;
	s20 =	rddreg [dreg:$0x7];
	[sflag:s17] =	ssyncadd.s32 $0xFFFFC000  }
0x3e: {  	[hbm4b:s20+s4] =	stream.linear.scatter [tilespmem:s11], [sflag:$0x9], $0x4000, $0x38;
	[tilespmem:$0x1DC00] =	vst v63  }
0x3f: {  	_ =	swait.ge [sflag:s18], $0x4000  }
0x40: {  	[sflag:s18] =	ssyncset.done $0x0  }
0x41: {  	s21 =	simm.s32 $0x380;
	[sflag:s18] =	ssyncadd.s32 $0xFFFFC000  }
0x42: {  	[tilespmem:s10], [sflag:$0x1] =	stream.indirect.gather [hbm4b:s1+s6], $0x80, s21, s6, $0xb8;
	[tilespmem:$0x1DC00] =	vst v63  }
0x43: {  	s21 =	simm.s32 $0x3  }
0x44: {  	_ =	swait.ge [sflag:s21], $0x4000  }
0x45: {  	[sflag:s21] =	ssyncset.done $0x0  }
0x46: {  	s22 =	rddreg [dreg:$0x8];
	[sflag:s21] =	ssyncadd.s32 $0xFFFFC000  }
0x47: {  	[hbm4b:s22+s4] =	stream.linear.scatter [tilespmem:s5], [sflag:$0xA], $0x4000, $0x38;
	[tilespmem:$0x1DC00] =	vst v63  }
0x48: {  	s22 =	simm.s32 $0x9  }
0x49: {  	_ =	swait.ge [sflag:s22], $0x4000  }
0x4a: {  	[sflag:s22] =	ssyncset.done $0x0  }
0x4b: {  	[sflag:s22] =	ssyncadd.s32 $0xFFFFC000  }
0x4c: {  	[tilespmem:s11], [sflag:$0x2] =	stream.indirect.gather [hbm4b:s1+s6], $0x80, s9, s6, $0xb8;
	[tilespmem:$0x1DC00] =	vst v63  }
0x4d: {  	_ =	swait.ge [sflag:s31], $0x4000  }
0x4e: {  	[sflag:s31] =	ssyncset.done $0x0  }
0x4f: {  	s23 =	rddreg [dreg:$0x9];
	[sflag:s31] =	ssyncadd.s32 $0xFFFFC000  }
0x50: {  	[hbm4b:s23+s4] =	stream.linear.scatter [tilespmem:s13], [sflag:$0xB], $0x4000, $0x38;
	[tilespmem:$0x1DC00] =	vst v63  }
0x51: {  	_ =	swait.ge [sflag:s2], $0x4000  }
0x52: {  	[sflag:s2] =	ssyncset.done $0x0  }
0x53: {  	s24 =	simm.s32 $0x480;
	[sflag:s2] =	ssyncadd.s32 $0xFFFFC000  }
0x54: {  	[tilespmem:s5], [sflag:$0x3] =	stream.indirect.gather [hbm4b:s1+s6], $0x80, s24, s6, $0xb8;
	[tilespmem:$0x1DC00] =	vst v63  }
0x55: {  	_ =	swait.ge [sflag:s26], $0x4000  }
0x56: {  	[sflag:s26] =	ssyncset.done $0x0  }
0x57: {  	s25 =	rddreg [dreg:$0xa];
	[sflag:s26] =	ssyncadd.s32 $0xFFFFC000  }
0x58: {  	[hbm4b:s25+s4] =	stream.linear.scatter [tilespmem:s14], [sflag:$0xC], $0x4000, $0x38;
	[tilespmem:$0x1DC00] =	vst v63  }
0x59: {  	_ =	swait.ge [sflag:s28], $0x4000  }
0x5a: {  	[sflag:s28] =	ssyncset.done $0x0  }
0x5b: {  	s9 =	simm.s32 $0x500;
	[sflag:s28] =	ssyncadd.s32 $0xFFFFC000  }
0x5c: {  	[tilespmem:s13], [sflag:$0x4] =	stream.indirect.gather [hbm4b:s1+s6], $0x80, s9, s6, $0xb8;
	[tilespmem:$0x1DC00] =	vst v63  }
0x5d: {  	_ =	swait.ge [sflag:s29], $0x4000  }
0x5e: {  	[sflag:s29] =	ssyncset.done $0x0  }
0x5f: {  	s20 =	rddreg [dreg:$0xb];
	[sflag:s29] =	ssyncadd.s32 $0xFFFFC000  }
0x60: {  	[hbm4b:s20+s4] =	stream.linear.scatter [tilespmem:s15], [sflag:$0xD], $0x4000, $0x38;
	[tilespmem:$0x1DC00] =	vst v63  }
0x61: {  	_ =	swait.ge [sflag:s30], $0x4000  }
0x62: {  	[sflag:s30] =	ssyncset.done $0x0  }
0x63: {  	s23 =	simm.s32 $0x580;
	[sflag:s30] =	ssyncadd.s32 $0xFFFFC000  }
0x64: {  	[tilespmem:s14], [sflag:$0x5] =	stream.indirect.gather [hbm4b:s1+s6], $0x80, s23, s6, $0xb8;
	[tilespmem:$0x1DC00] =	vst v63  }
0x65: {  	_ =	swait.ge [sflag:s7], $0x4000  }
0x66: {  	[sflag:s7] =	ssyncset.done $0x0  }
0x67: {  	s24 =	rddreg [dreg:$0xc];
	[sflag:s7] =	ssyncadd.s32 $0xFFFFC000  }
0x68: {  	[hbm4b:s24+s4] =	stream.linear.scatter [tilespmem:s16], [sflag:$0xE], $0x4000, $0x38;
	[tilespmem:$0x1DC00] =	vst v63  }
0x69: {  	_ =	swait.ge [sflag:s0], $0x4000  }
0x6a: {  	[sflag:s0] =	ssyncset.done $0x0  }
0x6b: {  	s25 =	simm.s32 $0x600;
	[sflag:s0] =	ssyncadd.s32 $0xFFFFC000  }
0x6c: {  	[tilespmem:s15], [sflag:$0x6] =	stream.indirect.gather [hbm4b:s1+s6], $0x80, s25, s6, $0xb8;
	[tilespmem:$0x1DC00] =	vst v63  }
0x6d: {  	_ =	swait.ge [sflag:s12], $0x4000  }
0x6e: {  	s23 =	rddreg [dreg:$0x17]  }
0x6f: {  	[sflag:s12] =	ssyncset.done $0x0;
	s9 =	sshrl.u32 s23, $0x3  }
0x70: {  	[sflag:s12] =	ssyncadd.s32 $0xFFFFC000;
	s3 =	sadd.s32 s8, s9  }
0x71: {  	[hbm4b:s3+s4] =	stream.linear.scatter [tilespmem:s10], [sflag:$0x8], $0x4000, $0x38;
	[tilespmem:$0x1DC00] =	vst v63  }
0x72: {  	_ =	swait.ge [sflag:s19], $0x4000  }
0x73: {  	[sflag:s19] =	ssyncset.done $0x0  }
0x74: {  	s20 =	simm.s32 $0x680;
	[sflag:s19] =	ssyncadd.s32 $0xFFFFC000  }
0x75: {  	[tilespmem:s16], [sflag:$0x7] =	stream.indirect.gather [hbm4b:s1+s6], $0x80, s20, s6, $0xb8;
	[tilespmem:$0x1DC00] =	vst v63  }
0x76: {  	_ =	swait.ge [sflag:s17], $0x4000  }
0x77: {  	[sflag:s17] =	ssyncset.done $0x0  }
0x78: {  	s20 =	rddreg [dreg:$0x16];
	[sflag:s17] =	ssyncadd.s32 $0xFFFFC000  }
0x79: {  	[hbm4b:s20+s4] =	stream.linear.scatter [tilespmem:s11], [sflag:$0x9], $0x4000, $0x38;
	[tilespmem:$0x1DC00] =	vst v63  }
0x7a: {  	_ =	swait.ge [sflag:s18], $0x4000  }
0x7b: {  	[sflag:s18] =	ssyncset.done $0x0  }
0x7c: {  	s24 =	simm.s32 $0x700;
	[sflag:s18] =	ssyncadd.s32 $0xFFFFC000  }
0x7d: {  	[tilespmem:s10], [sflag:$0x1] =	stream.indirect.gather [hbm4b:s1+s6], $0x80, s24, s6, $0xb8;
	[tilespmem:$0x1DC00] =	vst v63  }
0x7e: {  	_ =	swait.ge [sflag:s21], $0x4000  }
0x7f: {  	[sflag:s21] =	ssyncset.done $0x0  }
0x80: {  	s12 =	rddreg [dreg:$0x15];
	[sflag:s21] =	ssyncadd.s32 $0xFFFFC000  }
0x81: {  	[hbm4b:s12+s4] =	stream.linear.scatter [tilespmem:s5], [sflag:$0xA], $0x4000, $0x38;
	[tilespmem:$0x1DC00] =	vst v63  }
0x82: {  	_ =	swait.ge [sflag:s22], $0x4000  }
0x83: {  	[sflag:s22] =	ssyncset.done $0x0  }
0x84: {  	s25 =	simm.s32 $0x780;
	[sflag:s22] =	ssyncadd.s32 $0xFFFFC000  }
0x85: {  	[tilespmem:s11], [sflag:$0x2] =	stream.indirect.gather [hbm4b:s1+s6], $0x80, s25, s6, $0xb8;
	[tilespmem:$0x1DC00] =	vst v63  }
0x86: {  	_ =	swait.ge [sflag:s31], $0x4000  }
0x87: {  	[sflag:s31] =	ssyncset.done $0x0  }
0x88: {  	s11 =	rddreg [dreg:$0x14];
	[sflag:s31] =	ssyncadd.s32 $0xFFFFC000  }
0x89: {  	[hbm4b:s11+s4] =	stream.linear.scatter [tilespmem:s13], [sflag:$0xB], $0x4000, $0x38;
	[tilespmem:$0x1DC00] =	vst v63  }
0x8a: {  	_ =	swait.ge [sflag:s2], $0x4000  }
0x8b: {  	[sflag:s2] =	ssyncset.done $0x0  }
0x8c: {  	s9 =	simm.s32 $0x800;
	[sflag:s2] =	ssyncadd.s32 $0xFFFFC000  }
0x8d: {  	[tilespmem:s5], [sflag:$0x3] =	stream.indirect.gather [hbm4b:s1+s6], $0x80, s9, s6, $0xb8;
	[tilespmem:$0x1DC00] =	vst v63  }
0x8e: {  	_ =	swait.ge [sflag:s26], $0x4000  }
0x8f: {  	[sflag:s26] =	ssyncset.done $0x0  }
0x90: {  	s10 =	rddreg [dreg:$0x13];
	[sflag:s26] =	ssyncadd.s32 $0xFFFFC000  }
0x91: {  	[hbm4b:s10+s4] =	stream.linear.scatter [tilespmem:s14], [sflag:$0xC], $0x4000, $0x38;
	[tilespmem:$0x1DC00] =	vst v63  }
0x92: {  	_ =	swait.ge [sflag:s28], $0x4000  }
0x93: {  	[sflag:s28] =	ssyncset.done $0x0  }
0x94: {  	s17 =	simm.s32 $0x880;
	[sflag:s28] =	ssyncadd.s32 $0xFFFFC000  }
0x95: {  	[tilespmem:s13], [sflag:$0x4] =	stream.indirect.gather [hbm4b:s1+s6], $0x80, s17, s6, $0xb8;
	[tilespmem:$0x1DC00] =	vst v63  }
0x96: {  	_ =	swait.ge [sflag:s29], $0x4000  }
0x97: {  	[sflag:s29] =	ssyncset.done $0x0  }
0x98: {  	s18 =	rddreg [dreg:$0x12];
	[sflag:s29] =	ssyncadd.s32 $0xFFFFC000  }
0x99: {  	[hbm4b:s18+s4] =	stream.linear.scatter [tilespmem:s15], [sflag:$0xD], $0x4000, $0x38;
	[tilespmem:$0x1DC00] =	vst v63  }
0x9a: {  	_ =	swait.ge [sflag:s30], $0x4000  }
0x9b: {  	[sflag:s30] =	ssyncset.done $0x0  }
0x9c: {  	s24 =	simm.s32 $0x900;
	[sflag:s30] =	ssyncadd.s32 $0xFFFFC000  }
0x9d: {  	[tilespmem:s14], [sflag:$0x5] =	stream.indirect.gather [hbm4b:s1+s6], $0x80, s24, s6, $0xb8;
	[tilespmem:$0x1DC00] =	vst v63  }
0x9e: {  	s23 =	sadd.s32 $0x380000, s23;
	_ =	swait.ge [sflag:s7], $0x4000  }
0x9f: {  	s21 =	simm.s32 $0xE00;
	s3 =	sadd.s32 $0x70000, s11;
	[sflag:s7] =	ssyncset.done $0x0  }
0xa0: {  	s9 =	simm.s32 $0x980;
	s25 =	rddreg [dreg:$0x18];
	[sflag:s7] =	ssyncadd.s32 $0xFFFFC000  }
0xa1: {  	[hbm4b:s25+s4] =	stream.linear.scatter [tilespmem:s16], [sflag:$0xE], $0x4000, $0x38;
	[tilespmem:$0x1DC00] =	vst v63  }
0xa2: {  	s24 =	sadd.s32 $0x70000, s12;
	s12 =	smov.u32 s8;
	_ =	swait.ge [sflag:s0], $0x4000  }
0xa3: {  	s8 =	sadd.s32 $0x70000, s18;
	s22 =	sadd.s32 $0x70000, s25;
	[sflag:s0] =	ssyncset.done $0x0  }
0xa4: {  	s25 =	sadd.s32 $0x70000, s20;
	s20 =	sadd.s32 $0x70000, s10;
	[sflag:s0] =	ssyncadd.s32 $0xFFFFC000  }
.LBB2_2:
0xa5: {  	s17 =	simm.s32 $0x15C00  }
0xa6: {  	[tilespmem:s17], [sflag:$0x6] =	stream.indirect.gather [hbm4b:s1+s6], $0x80, s9, s6, $0xb8;
	[tilespmem:$0x1DC00] =	vst v63  }
0xa7: {  	s10 =	smov.u32 s21;
	s5 =	simm.s32 $0x1;
	s9 =	smov.u32 s22  }
0xa8: {  	p0 =	sne.s32 s21, $0x3800;
	s21 =	sadd.s32 $0xE00, s21;
	_ =	swait.ge [sflag:s5], $0x4000  }
0xa9: {  	s11 =	sshrl.u32 s23, $0x3;
	[sflag:s5] =	ssyncset.done $0x0  }
0xaa: {  	s13 =	simm.s32 $0x1C00;
	s11 =	sadd.s32 s12, s11;
	[sflag:s5] =	ssyncadd.s32 $0xFFFFC000  }
0xab: {  	[hbm4b:s11+s4] =	stream.linear.scatter [tilespmem:s13], [sflag:$0x8], $0x4000, $0x38;
	[tilespmem:$0x1DC00] =	vst v63  }
0xac: {  	_ =	swait.ge [sflag:s19], $0x4000  }
0xad: {  	s18 =	simm.s32 $0x19C00;
	s10 =	sshra.s32 s10, $0x2;
	[sflag:s19] =	ssyncset.done $0x0  }
0xae: {  	s5 =	simm.s32 $0x2;
	s11 =	sadd.s32 $0x680, s10;
	[sflag:s19] =	ssyncadd.s32 $0xFFFFC000  }
0xaf: {  	[tilespmem:s18], [sflag:$0x7] =	stream.indirect.gather [hbm4b:s1+s6], $0x80, s11, s6, $0xb8;
	[tilespmem:$0x1DC00] =	vst v63  }
0xb0: {  	_ =	swait.ge [sflag:s5], $0x4000  }
0xb1: {  	[sflag:s5] =	ssyncset.done $0x0  }
0xb2: {  	s11 =	simm.s32 $0x8;
	[sflag:s5] =	ssyncadd.s32 $0xFFFFC000;
	s5 =	simm.s32 $0x5C00  }
0xb3: {  	[hbm4b:s25+s4] =	stream.linear.scatter [tilespmem:s5], [sflag:$0x9], $0x4000, $0x38;
	[tilespmem:$0x1DC00] =	vst v63  }
0xb4: {  	_ =	swait.ge [sflag:s11], $0x4000  }
0xb5: {  	[sflag:s11] =	ssyncset.done $0x0  }
0xb6: {  	[sflag:s11] =	ssyncadd.s32 $0xFFFFC000;
	s11 =	sadd.s32 $0x700, s10  }
0xb7: {  	[tilespmem:s13], [sflag:$0x1] =	stream.indirect.gather [hbm4b:s1+s6], $0x80, s11, s6, $0xb8;
	[tilespmem:$0x1DC00] =	vst v63  }
0xb8: {  	s11 =	simm.s32 $0x3  }
0xb9: {  	_ =	swait.ge [sflag:s11], $0x4000  }
0xba: {  	[sflag:s11] =	ssyncset.done $0x0  }
0xbb: {  	s14 =	simm.s32 $0x9C00;
	[sflag:s11] =	ssyncadd.s32 $0xFFFFC000;
	s11 =	simm.s32 $0x9  }
0xbc: {  	[hbm4b:s24+s4] =	stream.linear.scatter [tilespmem:s14], [sflag:$0xA], $0x4000, $0x38;
	[tilespmem:$0x1DC00] =	vst v63  }
0xbd: {  	_ =	swait.ge [sflag:s11], $0x4000  }
0xbe: {  	[sflag:s11] =	ssyncset.done $0x0  }
0xbf: {  	s13 =	simm.s32 $0x5C00;
	[sflag:s11] =	ssyncadd.s32 $0xFFFFC000;
	s11 =	sadd.s32 $0x780, s10  }
0xc0: {  	[tilespmem:s5], [sflag:$0x2] =	stream.indirect.gather [hbm4b:s1+s6], $0x80, s11, s6, $0xb8;
	[tilespmem:$0x1DC00] =	vst v63  }
0xc1: {  	_ =	swait.ge [sflag:s31], $0x4000  }
0xc2: {  	[sflag:s31] =	ssyncset.done $0x0  }
0xc3: {  	s15 =	simm.s32 $0xDC00;
	[sflag:s31] =	ssyncadd.s32 $0xFFFFC000  }
0xc4: {  	[hbm4b:s3+s4] =	stream.linear.scatter [tilespmem:s15], [sflag:$0xB], $0x4000, $0x38;
	[tilespmem:$0x1DC00] =	vst v63  }
0xc5: {  	_ =	swait.ge [sflag:s2], $0x4000  }
0xc6: {  	[sflag:s2] =	ssyncset.done $0x0  }
0xc7: {  	s11 =	sadd.s32 $0x800, s10;
	s5 =	simm.s32 $0x9C00;
	[sflag:s2] =	ssyncadd.s32 $0xFFFFC000  }
0xc8: {  	[tilespmem:s14], [sflag:$0x3] =	stream.indirect.gather [hbm4b:s1+s6], $0x80, s11, s6, $0xb8;
	[tilespmem:$0x1DC00] =	vst v63  }
0xc9: {  	_ =	swait.ge [sflag:s26], $0x4000  }
0xca: {  	[sflag:s26] =	ssyncset.done $0x0  }
0xcb: {  	s16 =	simm.s32 $0x11C00;
	[sflag:s26] =	ssyncadd.s32 $0xFFFFC000  }
0xcc: {  	[hbm4b:s20+s4] =	stream.linear.scatter [tilespmem:s16], [sflag:$0xC], $0x4000, $0x38;
	[tilespmem:$0x1DC00] =	vst v63  }
0xcd: {  	_ =	swait.ge [sflag:s28], $0x4000  }
0xce: {  	[sflag:s28] =	ssyncset.done $0x0  }
0xcf: {  	s11 =	sadd.s32 $0x880, s10;
	s14 =	simm.s32 $0xDC00;
	[sflag:s28] =	ssyncadd.s32 $0xFFFFC000  }
0xd0: {  	[tilespmem:s15], [sflag:$0x4] =	stream.indirect.gather [hbm4b:s1+s6], $0x80, s11, s6, $0xb8;
	[tilespmem:$0x1DC00] =	vst v63  }
0xd1: {  	_ =	swait.ge [sflag:s29], $0x4000  }
0xd2: {  	[sflag:s29] =	ssyncset.done $0x0  }
0xd3: {  	[sflag:s29] =	ssyncadd.s32 $0xFFFFC000  }
0xd4: {  	[hbm4b:s8+s4] =	stream.linear.scatter [tilespmem:s17], [sflag:$0xD], $0x4000, $0x38;
	[tilespmem:$0x1DC00] =	vst v63  }
0xd5: {  	_ =	swait.ge [sflag:s30], $0x4000  }
0xd6: {  	[sflag:s30] =	ssyncset.done $0x0  }
0xd7: {  	s11 =	sadd.s32 $0x900, s10;
	s15 =	simm.s32 $0x11C00;
	[sflag:s30] =	ssyncadd.s32 $0xFFFFC000  }
0xd8: {  	[tilespmem:s16], [sflag:$0x5] =	stream.indirect.gather [hbm4b:s1+s6], $0x80, s11, s6, $0xb8;
	[tilespmem:$0x1DC00] =	vst v63  }
0xd9: {  	_ =	swait.ge [sflag:s7], $0x4000  }
0xda: {  	s22 =	sadd.s32 $0x70000, s22;
	[sflag:s7] =	ssyncset.done $0x0  }
.Ltmp0:
0xdb: {  	s23 =	sadd.s32 $0x380000, s23;
	[sflag:s7] =	ssyncadd.s32 $0xFFFFC000;
	(pc) =	sbr.rel @p0 .LBB2_2-.Ltmp0, $4  }
0xdc: {  	[hbm4b:s9+s4] =	stream.linear.scatter [tilespmem:s18], [sflag:$0xE], $0x4000, $0x38;
	[tilespmem:$0x1DC00] =	vst v63  }
0xdd: {  	s25 =	sadd.s32 $0x70000, s25;
	s24 =	sadd.s32 $0x70000, s24;
	_ =	swait.ge [sflag:s0], $0x4000  }
0xde: {  	s3 =	sadd.s32 $0x70000, s3;
	s20 =	sadd.s32 $0x70000, s20;
	[sflag:s0] =	ssyncset.done $0x0  }
0xdf: {  	s8 =	sadd.s32 $0x70000, s8;
	s9 =	sadd.s32 $0x980, s10;
	[sflag:s0] =	ssyncadd.s32 $0xFFFFC000  }
0xe0: {  	s10 =	simm.s32 $0x15C00  }
0xe1: {  	[tilespmem:s10], [sflag:$0x6] =	stream.indirect.gather [hbm4b:s1+s6], $0x80, s9, s6, $0xb8;
	[tilespmem:$0x1DC00] =	vst v63  }
0xe2: {  	s9 =	simm.s32 $0x1  }
0xe3: {  	_ =	swait.ge [sflag:s9], $0x4000  }
0xe4: {  	[sflag:s9] =	ssyncset.done $0x0  }
0xe5: {  	s8 =	simm.s32 $0x1C00;
	s3 =	rddreg [dreg:$0xd];
	[sflag:s9] =	ssyncadd.s32 $0xFFFFC000  }
0xe6: {  	[hbm4b:s3+s4] =	stream.linear.scatter [tilespmem:s8], [sflag:$0x8], $0x4000, $0x38;
	[tilespmem:$0x1DC00] =	vst v63  }
0xe7: {  	_ =	swait.ge [sflag:s19], $0x4000  }
0xe8: {  	s11 =	simm.s32 $0x1800;
	[sflag:s19] =	ssyncset.done $0x0  }
0xe9: {  	s16 =	simm.s32 $0x19C00;
	s21 =	simm.s32 $0x2;
	[sflag:s19] =	ssyncadd.s32 $0xFFFFC000  }
0xea: {  	[tilespmem:s16], [sflag:$0x7] =	stream.indirect.gather [hbm4b:s1+s6], $0x80, s11, s6, $0xb8;
	[tilespmem:$0x1DC00] =	vst v63  }
0xeb: {  	_ =	swait.ge [sflag:s21], $0x4000  }
0xec: {  	[sflag:s21] =	ssyncset.done $0x0  }
0xed: {  	s22 =	rddreg [dreg:$0xe];
	[sflag:s21] =	ssyncadd.s32 $0xFFFFC000  }
0xee: {  	[hbm4b:s22+s4] =	stream.linear.scatter [tilespmem:s13], [sflag:$0x9], $0x4000, $0x38;
	[tilespmem:$0x1DC00] =	vst v63  }
0xef: {  	s13 =	simm.s32 $0x8  }
0xf0: {  	_ =	swait.ge [sflag:s13], $0x4000  }
0xf1: {  	[sflag:s13] =	ssyncset.done $0x0  }
0xf2: {  	s23 =	simm.s32 $0x1880;
	s24 =	simm.s32 $0x3;
	[sflag:s13] =	ssyncadd.s32 $0xFFFFC000  }
0xf3: {  	[tilespmem:s8], [sflag:$0x1] =	stream.indirect.gather [hbm4b:s1+s6], $0x80, s23, s6, $0xb8;
	[tilespmem:$0x1DC00] =	vst v63  }
0xf4: {  	_ =	swait.ge [sflag:s24], $0x4000  }
0xf5: {  	[sflag:s24] =	ssyncset.done $0x0  }
0xf6: {  	s17 =	simm.s32 $0x9;
	s25 =	rddreg [dreg:$0xf];
	[sflag:s24] =	ssyncadd.s32 $0xFFFFC000  }
0xf7: {  	[hbm4b:s25+s4] =	stream.linear.scatter [tilespmem:s5], [sflag:$0xA], $0x4000, $0x38;
	[tilespmem:$0x1DC00] =	vst v63  }
0xf8: {  	_ =	swait.ge [sflag:s17], $0x4000  }
0xf9: {  	[sflag:s17] =	ssyncset.done $0x0  }
0xfa: {  	[sflag:s17] =	ssyncadd.s32 $0xFFFFC000  }
0xfb: {  	_ =	swait.ge [sflag:s31], $0x4000  }
0xfc: {  	[sflag:s31] =	ssyncset.done $0x0  }
0xfd: {  	s18 =	rddreg [dreg:$0x10];
	[sflag:s31] =	ssyncadd.s32 $0xFFFFC000  }
0xfe: {  	[hbm4b:s18+s4] =	stream.linear.scatter [tilespmem:s14], [sflag:$0xB], $0x4000, $0x38;
	[tilespmem:$0x1DC00] =	vst v63  }
0xff: {  	_ =	swait.ge [sflag:s2], $0x4000  }
0x100: {  	[sflag:s2] =	ssyncset.done $0x0  }
0x101: {  	[sflag:s2] =	ssyncadd.s32 $0xFFFFC000  }
0x102: {  	_ =	swait.ge [sflag:s26], $0x4000  }
0x103: {  	[sflag:s26] =	ssyncset.done $0x0  }
0x104: {  	s20 =	rddreg [dreg:$0x19];
	[sflag:s26] =	ssyncadd.s32 $0xFFFFC000  }
0x105: {  	[hbm4b:s20+s4] =	stream.linear.scatter [tilespmem:s15], [sflag:$0xC], $0x4000, $0x38;
	[tilespmem:$0x1DC00] =	vst v63  }
0x106: {  	_ =	swait.ge [sflag:s28], $0x4000  }
0x107: {  	[sflag:s28] =	ssyncset.done $0x0  }
0x108: {  	[sflag:s28] =	ssyncadd.s32 $0xFFFFC000  }
0x109: {  	_ =	swait.ge [sflag:s29], $0x4000  }
0x10a: {  	[sflag:s29] =	ssyncset.done $0x0  }
0x10b: {  	s21 =	rddreg [dreg:$0x1a];
	[sflag:s29] =	ssyncadd.s32 $0xFFFFC000  }
0x10c: {  	[hbm4b:s21+s4] =	stream.linear.scatter [tilespmem:s10], [sflag:$0xD], $0x4000, $0x38;
	[tilespmem:$0x1DC00] =	vst v63  }
0x10d: {  	_ =	swait.ge [sflag:s30], $0x4000  }
0x10e: {  	[sflag:s30] =	ssyncset.done $0x0  }
0x10f: {  	[sflag:s30] =	ssyncadd.s32 $0xFFFFC000  }
0x110: {  	_ =	swait.ge [sflag:s7], $0x4000  }
0x111: {  	[sflag:s7] =	ssyncset.done $0x0  }
0x112: {  	s22 =	rddreg [dreg:$0x1b];
	[sflag:s7] =	ssyncadd.s32 $0xFFFFC000  }
0x113: {  	[hbm4b:s22+s4] =	stream.linear.scatter [tilespmem:s16], [sflag:$0xE], $0x4000, $0x38;
	[tilespmem:$0x1DC00] =	vst v63  }
0x114: {  	_ =	swait.ge [sflag:s0], $0x4000  }
0x115: {  	[sflag:s0] =	ssyncset.done $0x0  }
0x116: {  	[sflag:s0] =	ssyncadd.s32 $0xFFFFC000  }
0x117: {  	_ =	swait.ge [sflag:s9], $0x4000  }
0x118: {  	[sflag:s9] =	ssyncset.done $0x0  }
0x119: {  	s23 =	rddreg [dreg:$0x1c];
	[sflag:s9] =	ssyncadd.s32 $0xFFFFC000  }
0x11a: {  	[hbm4b:s23+s4] =	stream.linear.scatter [tilespmem:s8], [sflag:$0x8], $0x4000, $0x38;
	[tilespmem:$0x1DC00] =	vst v63  }
0x11b: {  	_ =	swait.ge [sflag:s19], $0x4000  }
0x11c: {  	[sflag:s19] =	ssyncset.done $0x0  }
0x11d: {  	[sflag:s19] =	ssyncadd.s32 $0xFFFFC000  }
0x11e: {  	_ =	swait.ge [sflag:s13], $0x4000  }
0x11f: {  	s24 =	rddreg [dreg:$0x1d]  }
0x120: {  	s25 =	rddreg [dreg:$0x11];
	s5 =	sadd.s32 $0x1, s24  }
0x121: {  	p0 =	sne.s32 s5, s25  }
.Ltmp1:
0x122: {  	_ = 	snop;
	(pc) =	sbr.rel @p0 .LBB2_1-.Ltmp1, $3  }
0x123: {  	_ =	sdelay $0x1  }
0x124: {  	[sflag:s13] =	ssyncset.done $0x0  }
0x125: {  	s8 =	smov.u32 s12;
	[sflag:s13] =	ssyncadd.s32 $0xFFFFC000  }
0x126: {  	_ =	sfence.sel $0x180000  }
0x127: {  	[bflag:$0x0] =	sbarrier.arrive $0xFFFF  }
0x128: {  	_ =	strace $0x90000047  }
0x129: {  	s0 =	stileid.u32;
	[bflag:$0x2] =	sbarrier.arrive $0xFFFF  }
0x12a: {  	p0 =	sne.s32 s0, $0x0;
	s0 =	rddreg [dreg:$0x3]  }
0x12b: {  	s0 =	sadd.s32 @!p0 $0x100000, s0  }
0x12c: {  	[sflag:s0] =	ssyncadd.tile.s32 @!p0 $0x1;
	_ =	shalt  }
.Lfunc_end2:
_tile_overlayer_lowered:
.L_overlay_start_2:
0x12d: {  	(tag) =	ssettag $0x2  }
0x12e: {  	s0 =	rddreg [dreg:$0x0];
	s2 =	stileid.u32  }
0x12f: {  	s1 =	rddreg [dreg:$0x1];
	p0 =	sne.s32 s2, $0x0  }
0x130: {  	s3 =	rddreg [dreg:$0x2];
	[bflag:$0x3] =	sbarrier.arrive $0xFFFF;
	s2 =	simm.s32 @!p0 $0x1C0F  }
0x131: {  	[timem:s3], [sflag:s2] =	dma.local @!p0 [hbm:s0], s1  }
0x132: {  	s0 =	simm.s32 @!p0 $0xF  }
0x133: {  	_ =	swait.ge @!p0 [sflag:s0], s1  }
0x134: {  	s1 =	ssub.s32 @!p0 $0x0, s1;
	[sflag:s0] =	ssyncset.done @!p0 $0x0  }
0x135: {  	[sflag:s0] =	ssyncadd.s32 @!p0 s1  }
0x136: {  	[bflag:$0x3] =	sbarrier.arrive $0xFFFF  }
0x137: {  	_ =	shalt  }

</sc_bundles>
